<compile_context>
chip_gen: v7x
topology: tpu7x:2x2x1
jax: 0.10.2.dev20260603
libtpu: 0.0.44.dev20260713+nightly
codegen_flags: <defaults>
</compile_context>

<pallas_src>
import jax
import jax.numpy as jnp
from jax import lax
from jax.experimental import pallas as pl
from jax.experimental.pallas import tpu as pltpu
from jax.experimental.pallas import tpu_sc as plsc

N = 10000
NP = 10240
E = 320000
D = 128
INV_TAU = 2.0

NC = 2
NS = 16
EDGE_CHUNK = 80
EPW = E // NS
NCHUNK = EPW // EDGE_CHUNK
ROWS_PW = NP // NS

_MESH = plsc.VectorSubcoreMesh(
    core_axis_name="c", subcore_axis_name="s", num_cores=NC, num_subcores=NS)


def _deg_kernel(dst_hbm, ones_hbm, zeros_hbm, deg_hbm, idx_v, ones_v, acc_sh):
    g = lax.axis_index("c")
    s = lax.axis_index("s")
    r0 = s * ROWS_PW
    pltpu.sync_copy(zeros_hbm.at[pl.ds(r0, ROWS_PW)], acc_sh.at[pl.ds(r0, ROWS_PW)])
    pltpu.sync_copy(ones_hbm, ones_v)
    plsc.subcore_barrier()

    def body(i, carry):
        e0 = g * E + s * EPW + i * EDGE_CHUNK
        pltpu.sync_copy(dst_hbm.at[pl.ds(e0, EDGE_CHUNK)], idx_v)
        pltpu.sync_copy(ones_v, acc_sh.at[idx_v], add=True)
        return carry

    lax.fori_loop(0, NCHUNK, body, 0)
    plsc.subcore_barrier()
    pltpu.sync_copy(acc_sh.at[pl.ds(r0, ROWS_PW)],
                    deg_hbm.at[pl.ds(g * NP + r0, ROWS_PW)])


def _agg_kernel(h_hbm, src_hbm, dst_hbm, zeros_hbm, out_hbm, sidx_v, didx_v,
                rows_v, acc_sh, sem):
    g = lax.axis_index("c")
    s = lax.axis_index("s")
    r0 = s * ROWS_PW
    pltpu.sync_copy(zeros_hbm.at[pl.ds(r0, ROWS_PW)], acc_sh.at[pl.ds(r0, ROWS_PW)])
    plsc.subcore_barrier()
    goff = g * NP

    def body(i, carry):
        e0 = g * E + s * EPW + i * EDGE_CHUNK
        pltpu.sync_copy(src_hbm.at[pl.ds(e0, EDGE_CHUNK)], sidx_v)
        pltpu.sync_copy(dst_hbm.at[pl.ds(e0, EDGE_CHUNK)], didx_v)
        for k in range(EDGE_CHUNK // 16):
            sl = pl.ds(k * 16, 16)
            sidx_v[sl] = sidx_v[sl] + jnp.full((16,), goff, jnp.int32)
        pltpu.async_copy(h_hbm.at[sidx_v], rows_v, sem).wait()
        pltpu.sync_copy(rows_v, acc_sh.at[didx_v], add=True)
        return carry

    lax.fori_loop(0, NCHUNK, body, 0)
    plsc.subcore_barrier()
    pltpu.sync_copy(acc_sh.at[pl.ds(r0, ROWS_PW)],
                    out_hbm.at[pl.ds(goff + r0, ROWS_PW)])


def _make_deg(interpret=False):
    return pl.kernel(
        _deg_kernel,
        out_type=jax.ShapeDtypeStruct((NC * NP, D), jnp.float32),
        mesh=_MESH,
        scratch_types=[
            pltpu.VMEM((EDGE_CHUNK,), jnp.int32),
            pltpu.VMEM((EDGE_CHUNK, D), jnp.float32),
            pltpu.VMEM_SHARED((NP, D), jnp.float32),
        ],
        interpret=interpret,
    )


def _make_agg(interpret=False):
    return pl.kernel(
        _agg_kernel,
        out_type=jax.ShapeDtypeStruct((NC * NP, D), jnp.float32),
        mesh=_MESH,
        scratch_types=[
            pltpu.VMEM((EDGE_CHUNK,), jnp.int32),
            pltpu.VMEM((EDGE_CHUNK,), jnp.int32),
            pltpu.VMEM((EDGE_CHUNK, D), jnp.float32),
            pltpu.VMEM_SHARED((NP, D), jnp.float32),
            pltpu.SemaphoreType.DMA,
        ],
        interpret=interpret,
    )


_deg_call = _make_deg()
_agg_call = _make_agg()


_BLK = 1024


def _dinv(deg_blk):
    return lax.rsqrt(jnp.maximum(deg_blk[:, :1], 1.0))


def _k1_body(x_ref, w_ref, b_ref, deg_ref, o_ref):
    h = jnp.dot(x_ref[...], w_ref[...], preferred_element_type=jnp.float32)
    h = h + b_ref[...]
    o_ref[...] = h * _dinv(deg_ref[...])


def _k2_body(a_ref, w_ref, b_ref, deg_ref, o_ref):
    di = _dinv(deg_ref[...])
    h = jnp.maximum(a_ref[...] * di, 0.0)
    h = jnp.dot(h, w_ref[...], preferred_element_type=jnp.float32) + b_ref[...]
    o_ref[...] = h * di


def _k3_body(a_ref, deg_ref, z_ref, zn_ref):
    z = a_ref[...] * _dinv(deg_ref[...])
    z_ref[...] = z
    nrm = jnp.sqrt(jnp.sum(z * z, axis=1, keepdims=True))
    zn_ref[...] = z / (nrm + 1e-8)


def _run_k1(xs, W1, b1, deg16):
    return pl.pallas_call(
        _k1_body,
        grid=((NC * NP) // _BLK,),
        in_specs=[
            pl.BlockSpec((_BLK, D), lambda i: (i, 0)),
            pl.BlockSpec((D, D), lambda i: (0, 0)),
            pl.BlockSpec((1, D), lambda i: (0, 0)),
            pl.BlockSpec((_BLK, D), lambda i: (i, 0)),
        ],
        out_specs=pl.BlockSpec((_BLK, D), lambda i: (i, 0)),
        out_shape=jax.ShapeDtypeStruct((NC * NP, D), jnp.float32),
    )(xs, W1, b1, deg16)


def _run_k2(agg, W2, b2, deg16):
    return pl.pallas_call(
        _k2_body,
        grid=((NC * NP) // _BLK,),
        in_specs=[
            pl.BlockSpec((_BLK, D), lambda i: (i, 0)),
            pl.BlockSpec((D, D), lambda i: (0, 0)),
            pl.BlockSpec((1, D), lambda i: (0, 0)),
            pl.BlockSpec((_BLK, D), lambda i: (i, 0)),
        ],
        out_specs=pl.BlockSpec((_BLK, D), lambda i: (i, 0)),
        out_shape=jax.ShapeDtypeStruct((NC * NP, D), jnp.float32),
    )(agg, W2, b2, deg16)


def _run_k3(agg, deg16):
    return pl.pallas_call(
        _k3_body,
        grid=((NC * NP) // _BLK,),
        in_specs=[
            pl.BlockSpec((_BLK, D), lambda i: (i, 0)),
            pl.BlockSpec((_BLK, D), lambda i: (i, 0)),
        ],
        out_specs=[
            pl.BlockSpec((_BLK, D), lambda i: (i, 0)),
            pl.BlockSpec((_BLK, D), lambda i: (i, 0)),
        ],
        out_shape=[
            jax.ShapeDtypeStruct((NC * NP, D), jnp.float32),
            jax.ShapeDtypeStruct((NC * NP, D), jnp.float32),
        ],
    )(agg, deg16)


_LB = 1000
_LG = N // _LB


def _loss_body(z1_ref, z2_ref, o_ref, rs_ref, cs_ref, acc_ref):
    i = pl.program_id(0)
    j = pl.program_id(1)
    sim = jax.lax.dot_general(
        z1_ref[...], z2_ref[...], (((1,), (1,)), ((), ())),
        preferred_element_type=jnp.float32) * INV_TAU
    es = jnp.exp(sim)
    row_s = jnp.sum(es, axis=1, keepdims=True)
    col_s = jnp.sum(es, axis=0, keepdims=True)

    @pl.when((i == 0) & (j == 0))
    def _():
        acc_ref[0] = 0.0

    @pl.when(j == 0)
    def _():
        rs_ref[...] = row_s

    @pl.when(j != 0)
    def _():
        rs_ref[...] += row_s

    @pl.when(i == 0)
    def _():
        cs_ref[pl.ds(j, 1), :] = col_s

    @pl.when(i != 0)
    def _():
        cs_ref[pl.ds(j, 1), :] += col_s

    @pl.when(i == j)
    def _():
        r = lax.broadcasted_iota(jnp.int32, (_LB, _LB), 0)
        c = lax.broadcasted_iota(jnp.int32, (_LB, _LB), 1)
        acc_ref[0] += 2.0 * jnp.sum(jnp.where(r == c, sim, 0.0))

    @pl.when(j == _LG - 1)
    def _():
        acc_ref[0] += -jnp.sum(jnp.log(rs_ref[...]))

    @pl.when((i == _LG - 1) & (j == _LG - 1))
    def _():
        total = acc_ref[0] - jnp.sum(jnp.log(cs_ref[...]))
        o_ref[...] = jnp.reshape(-0.5 * total / N, (1, 1))


def _run_loss(z1n, z2n):
    return pl.pallas_call(
        _loss_body,
        grid=(_LG, _LG),
        in_specs=[
            pl.BlockSpec((_LB, D), lambda i, j: (i, 0)),
            pl.BlockSpec((_LB, D), lambda i, j: (j, 0)),
        ],
        out_specs=pl.BlockSpec((1, 1), lambda i, j: (0, 0)),
        out_shape=jax.ShapeDtypeStruct((1, 1), jnp.float32),
        scratch_shapes=[
            pltpu.VMEM((_LB, 1), jnp.float32),
            pltpu.VMEM((_LG, _LB), jnp.float32),
            pltpu.SMEM((1,), jnp.float32),
        ],
    )(z1n, z2n)


def kernel(x1, edge_index1, x2, edge_index2, W1, b1, W2, b2):
    ei1 = edge_index1.astype(jnp.int32)
    ei2 = edge_index2.astype(jnp.int32)
    src_flat = jnp.concatenate([ei1[0], ei2[0]])
    dst_flat = jnp.concatenate([ei1[1], ei2[1]])
    pad = jnp.zeros((NP - N, D), jnp.float32)
    xs = jnp.concatenate([x1, pad, x2, pad], axis=0)
    onesD = jnp.ones((EDGE_CHUNK, D), jnp.float32)
    zerosD = jnp.zeros((NP, D), jnp.float32)
    b1r = b1.reshape(1, D)
    b2r = b2.reshape(1, D)

    deg16 = _deg_call(dst_flat, onesD, zerosD)

    h1s = _run_k1(xs, W1, b1r, deg16)
    agg1 = _agg_call(h1s, src_flat, dst_flat, zerosD)
    h2s = _run_k2(agg1, W2, b2r, deg16)
    agg2 = _agg_call(h2s, src_flat, dst_flat, zerosD)
    z, zn = _run_k3(agg2, deg16)

    z1 = lax.slice(z, (0, 0), (N, D))
    z1n = lax.slice(zn, (0, 0), (N, D))
    z2n = lax.slice(zn, (NP, 0), (NP + N, D))
    loss = _run_loss(z1n, z2n)[0, 0]
    return (z1, loss)

# --- scband reference (transcript-rebuilt; emitter-appended) ---
"""Pipeline reference for scband-rgcl-67250597920853 (READ-ONLY COPY).

The authoritative reference and input builder live on the scoring server;
editing this copy changes nothing except your own understanding.
"""

import jax, jax.numpy as jnp
import numpy as np

N = 10000
E = 320000
D_IN = 128
D_H = 128
TAU = 0.5


def gcn_layer(x, src, dst, W, b, n_nodes):
    h = x @ W + b
    deg = jnp.zeros((n_nodes,), dtype=h.dtype).at[dst].add(1.0)
    deg = jnp.clip(deg, 1.0, None)
    dinv = jax.lax.rsqrt(deg)
    norm = dinv[src] * dinv[dst]
    msg = h[src] * norm[:, None]
    out = jnp.zeros_like(h).at[dst].add(msg)
    return out


def encoder(x, edge_index, W1, b1, W2, b2):
    src = edge_index[0]
    dst = edge_index[1]
    h = gcn_layer(x, src, dst, W1, b1, x.shape[0])
    h = jax.nn.relu(h)
    z = gcn_layer(h, src, dst, W2, b2, x.shape[0])
    return z


def contrastive_loss(z1, z2, tau=TAU):
    z1n = z1 / (jnp.linalg.norm(z1, axis=1, keepdims=True) + 1e-8)
    z2n = z2 / (jnp.linalg.norm(z2, axis=1, keepdims=True) + 1e-8)
    sim = (z1n @ z2n.T) / tau
    logp12 = jax.nn.log_softmax(sim, axis=1)
    logp21 = jax.nn.log_softmax(sim, axis=0)
    diag12 = jnp.diagonal(logp12)
    diag21 = jnp.diagonal(logp21)
    loss = -0.5 * (jnp.mean(diag12) + jnp.mean(diag21))
    return loss


def setup_inputs(seed: int = 0) -> dict:
    key = jax.random.key(seed)
    ks = jax.random.split(key, 8)
    x1 = jax.random.normal(ks[0], (N, D_IN), dtype=jnp.float32)
    x2 = jax.random.normal(ks[1], (N, D_IN), dtype=jnp.float32)
    edge_index1 = jax.random.randint(ks[2], (2, E), 0, N, dtype=jnp.int64)
    edge_index2 = jax.random.randint(ks[3], (2, E), 0, N, dtype=jnp.int64)
    W1 = jax.random.normal(ks[4], (D_IN, D_H), dtype=jnp.float32) * 0.05
    b1 = jnp.zeros((D_H,), dtype=jnp.float32)
    W2 = jax.random.normal(ks[5], (D_H, D_H), dtype=jnp.float32) * 0.05
    b2 = jnp.zeros((D_H,), dtype=jnp.float32)
    return {"x1": x1, "edge_index1": edge_index1, "x2": x2, "edge_index2": edge_index2,
            "W1": W1, "b1": b1, "W2": W2, "b2": b2}


def reference(x1, edge_index1, x2, edge_index2, W1, b1, W2, b2):
    z1 = encoder(x1, edge_index1, W1, b1, W2, b2)
    z2 = encoder(x2, edge_index2, W1, b1, W2, b2)
    loss = contrastive_loss(z1, z2)
    return (z1, loss)

if __name__ == "__main__":
    import jax
    _d = setup_inputs()
    print(jax.jit(kernel)(*tuple(_d.values())))

</pallas_src>

<mosaic_0001>
#map = affine_map<(d0, d1) -> (0)>
#map1 = affine_map<(d0, d1) -> (0, 0)>
module attributes {stable_mosaic.version = 14 : i64} {
  func.func @_deg_kernel(%arg0: i32, %arg1: i32, %arg2: memref<640000xi32, #tpu.memory_space<hbm>>, %arg3: memref<80x128xf32, #tpu.memory_space<hbm>>, %arg4: memref<10240x128xf32, #tpu.memory_space<hbm>>, %arg5: memref<20480x128xf32, #tpu.memory_space<hbm>>, %arg6: memref<80xi32, #tpu.memory_space<vmem>>, %arg7: memref<80x128xf32, #tpu.memory_space<vmem>>, %arg8: memref<10240x128xf32, #tpu.memory_space<vmem_shared>>) attributes {dimension_semantics = [#tpu.dimension_semantics<core_parallel>, #tpu.dimension_semantics<subcore_parallel>], iteration_bounds = array<i64: 2, 16>, scalar_prefetch = 0 : i64, scratch_operands = 3 : i64, tpu.core_type = #tpu.core_type<sc_vector_subcore>, window_params = [{transform_indices = #map}, {transform_indices = #map1}, {transform_indices = #map1}, {transform_indices = #map1}]} {
    %mul3A = arith.constant 640 : i32
    %mul3A_0 = arith.muli %arg1, %mul3A : i32
    "tpu.region"() ({
      %run_scoped3A = tpu.sem_alloc : memref<!tpu.dma_semaphore, #tpu.memory_space<semaphore_mem>>
      %dma_start3A = arith.constant 0 : i32
      %dma_start3A_9 = tpu.memref_slice %arg8[%mul3A_0, %dma_start3A] : memref<10240x128xf32, #tpu.memory_space<vmem_shared>> -> memref<640x128xf32, #tpu.memory_space<vmem_shared>>
      %dma_start3A_10 = arith.constant 0 : i32
      %dma_start3A_11 = tpu.memref_slice %arg4[%mul3A_0, %dma_start3A_10] : memref<10240x128xf32, #tpu.memory_space<hbm>> -> memref<640x128xf32, #tpu.memory_space<hbm>>
      tpu.enqueue_dma source(%dma_start3A_11 : memref<640x128xf32, #tpu.memory_space<hbm>>) target(%dma_start3A_9 : memref<640x128xf32, #tpu.memory_space<vmem_shared>>) target_semaphore(%run_scoped3A : memref<!tpu.dma_semaphore, #tpu.memory_space<semaphore_mem>>)
      %dma_wait3A = arith.constant 0 : i32
      %dma_wait3A_12 = tpu.memref_slice %arg8[%mul3A_0, %dma_wait3A] : memref<10240x128xf32, #tpu.memory_space<vmem_shared>> -> memref<640x128xf32, #tpu.memory_space<vmem_shared>>
      %dma_wait3A_13 = arith.constant 0 : i32
      %dma_wait3A_14 = tpu.memref_slice %arg4[%mul3A_0, %dma_wait3A_13] : memref<10240x128xf32, #tpu.memory_space<hbm>> -> memref<640x128xf32, #tpu.memory_space<hbm>>
      tpu.wait_dma2 semaphore(%run_scoped3A : memref<!tpu.dma_semaphore, #tpu.memory_space<semaphore_mem>>) src(%dma_wait3A_14 : memref<640x128xf32, #tpu.memory_space<hbm>>) dst(%dma_wait3A_12 : memref<640x128xf32, #tpu.memory_space<vmem_shared>>)
      tpu.yield
    }) : () -> ()
    "tpu.region"() ({
      %run_scoped3A = tpu.sem_alloc : memref<!tpu.dma_semaphore, #tpu.memory_space<semaphore_mem>>
      tpu.enqueue_dma source(%arg3 : memref<80x128xf32, #tpu.memory_space<hbm>>) target(%arg7 : memref<80x128xf32, #tpu.memory_space<vmem>>) target_semaphore(%run_scoped3A : memref<!tpu.dma_semaphore, #tpu.memory_space<semaphore_mem>>)
      tpu.wait_dma2 semaphore(%run_scoped3A : memref<!tpu.dma_semaphore, #tpu.memory_space<semaphore_mem>>) src(%arg3 : memref<80x128xf32, #tpu.memory_space<hbm>>) dst(%arg7 : memref<80x128xf32, #tpu.memory_space<vmem>>)
      tpu.yield
    }) : () -> ()
    %barrier3A = arith.constant 0 : index
    tpu.barrier barrier_id(%barrier3A)
    %scan3A = arith.constant 0 : i32
    %scan3A_1 = arith.constant 0 : i32
    %scan3A_2 = arith.constant 250 : i32
    %scan3A_3 = arith.addi %scan3A_1, %scan3A_2 : i32
    %scan3A_4 = arith.constant 1 : i32
    scf.for %scan3A_9 = %scan3A_1 to %scan3A_3 step %scan3A_4  : i32 {
      %mul3A_10 = arith.constant 320000 : i32
      %mul3A_11 = arith.muli %arg0, %mul3A_10 : i32
      %mul3A_12 = arith.constant 20000 : i32
      %mul3A_13 = arith.muli %arg1, %mul3A_12 : i32
      %add3A_14 = arith.addi %mul3A_11, %mul3A_13 : i32
      %mul3A_15 = arith.constant 80 : i32
      %mul3A_16 = arith.muli %scan3A_9, %mul3A_15 : i32
      %add3A_17 = arith.addi %add3A_14, %mul3A_16 : i32
      "tpu.region"() ({
        %run_scoped3A = tpu.sem_alloc : memref<!tpu.dma_semaphore, #tpu.memory_space<semaphore_mem>>
        %dma_start3A = tpu.memref_slice %arg2[%add3A_17] : memref<640000xi32, #tpu.memory_space<hbm>> -> memref<80xi32, #tpu.memory_space<hbm>>
        %dma_start3A_18 = tpu.memref_slice %arg2[%add3A_17] : memref<640000xi32, #tpu.memory_space<hbm>> -> memref<80xi32, #tpu.memory_space<hbm>>
        tpu.enqueue_dma source(%dma_start3A_18 : memref<80xi32, #tpu.memory_space<hbm>>) target(%arg6 : memref<80xi32, #tpu.memory_space<vmem>>) target_semaphore(%run_scoped3A : memref<!tpu.dma_semaphore, #tpu.memory_space<semaphore_mem>>)
        %dma_wait3A = tpu.memref_slice %arg2[%add3A_17] : memref<640000xi32, #tpu.memory_space<hbm>> -> memref<80xi32, #tpu.memory_space<hbm>>
        %dma_wait3A_19 = tpu.memref_slice %arg2[%add3A_17] : memref<640000xi32, #tpu.memory_space<hbm>> -> memref<80xi32, #tpu.memory_space<hbm>>
        tpu.wait_dma2 semaphore(%run_scoped3A : memref<!tpu.dma_semaphore, #tpu.memory_space<semaphore_mem>>) src(%dma_wait3A_19 : memref<80xi32, #tpu.memory_space<hbm>>) dst(%arg6 : memref<80xi32, #tpu.memory_space<vmem>>)
        tpu.yield
      }) : () -> ()
      "tpu.region"() ({
        %run_scoped3A = tpu.sem_alloc : memref<!tpu.dma_semaphore, #tpu.memory_space<semaphore_mem>>
        %dma_start3A = arith.constant 0 : i32
        %dma_start3A_18 = arith.constant 0 : i32
        %dma_start3A_19 = tpu.memref_slice %arg8[%dma_start3A, %dma_start3A_18] : memref<10240x128xf32, #tpu.memory_space<vmem_shared>> -> memref<10240x128xf32, #tpu.memory_space<vmem_shared>>
        tpu.enqueue_indirect_dma source(%arg7 : memref<80x128xf32, #tpu.memory_space<vmem>>) target(%dma_start3A_19 : memref<10240x128xf32, #tpu.memory_space<vmem_shared>>) offsets(%arg6 : memref<80xi32, #tpu.memory_space<vmem>>) semaphore(%run_scoped3A : memref<!tpu.dma_semaphore, #tpu.memory_space<semaphore_mem>>) {add = true}
        %dma_wait3A = arith.constant 0 : i32
        %dma_wait3A_20 = arith.constant 0 : i32
        %dma_wait3A_21 = tpu.memref_slice %arg8[%dma_wait3A, %dma_wait3A_20] : memref<10240x128xf32, #tpu.memory_space<vmem_shared>> -> memref<10240x128xf32, #tpu.memory_space<vmem_shared>>
        tpu.wait_indirect_dma semaphore(%run_scoped3A : memref<!tpu.dma_semaphore, #tpu.memory_space<semaphore_mem>>) src(%arg7 : memref<80x128xf32, #tpu.memory_space<vmem>>) dst(%dma_wait3A_21 : memref<10240x128xf32, #tpu.memory_space<vmem_shared>>)
        tpu.yield
      }) : () -> ()
    }
    %scan3A_5 = arith.constant 250 : i32
    %barrier3A_6 = arith.constant 0 : index
    tpu.barrier barrier_id(%barrier3A_6)
    %mul3A_7 = arith.constant 10240 : i32
    %mul3A_8 = arith.muli %arg0, %mul3A_7 : i32
    %add3A = arith.addi %mul3A_8, %mul3A_0 : i32
    "tpu.region"() ({
      %run_scoped3A = tpu.sem_alloc : memref<!tpu.dma_semaphore, #tpu.memory_space<semaphore_mem>>
      %dma_start3A = arith.constant 0 : i32
      %dma_start3A_9 = tpu.memref_slice %arg5[%add3A, %dma_start3A] : memref<20480x128xf32, #tpu.memory_space<hbm>> -> memref<640x128xf32, #tpu.memory_space<hbm>>
      %dma_start3A_10 = arith.constant 0 : i32
      %dma_start3A_11 = tpu.memref_slice %arg8[%mul3A_0, %dma_start3A_10] : memref<10240x128xf32, #tpu.memory_space<vmem_shared>> -> memref<640x128xf32, #tpu.memory_space<vmem_shared>>
      tpu.enqueue_dma source(%dma_start3A_11 : memref<640x128xf32, #tpu.memory_space<vmem_shared>>) target(%dma_start3A_9 : memref<640x128xf32, #tpu.memory_space<hbm>>) target_semaphore(%run_scoped3A : memref<!tpu.dma_semaphore, #tpu.memory_space<semaphore_mem>>)
      %dma_wait3A = arith.constant 0 : i32
      %dma_wait3A_12 = tpu.memref_slice %arg5[%add3A, %dma_wait3A] : memref<20480x128xf32, #tpu.memory_space<hbm>> -> memref<640x128xf32, #tpu.memory_space<hbm>>
      %dma_wait3A_13 = arith.constant 0 : i32
      %dma_wait3A_14 = tpu.memref_slice %arg8[%mul3A_0, %dma_wait3A_13] : memref<10240x128xf32, #tpu.memory_space<vmem_shared>> -> memref<640x128xf32, #tpu.memory_space<vmem_shared>>
      tpu.wait_dma2 semaphore(%run_scoped3A : memref<!tpu.dma_semaphore, #tpu.memory_space<semaphore_mem>>) src(%dma_wait3A_14 : memref<640x128xf32, #tpu.memory_space<vmem_shared>>) dst(%dma_wait3A_12 : memref<640x128xf32, #tpu.memory_space<hbm>>)
      tpu.yield
    }) : () -> ()
    return
  }
}

#map = affine_map<(d0, d1) -> (0, 0)>
#map1 = affine_map<(d0, d1) -> (0)>
module attributes {stable_mosaic.version = 14 : i64} {
  func.func @_agg_kernel(%arg0: i32, %arg1: i32, %arg2: memref<20480x128xf32, #tpu.memory_space<hbm>>, %arg3: memref<640000xi32, #tpu.memory_space<hbm>>, %arg4: memref<640000xi32, #tpu.memory_space<hbm>>, %arg5: memref<10240x128xf32, #tpu.memory_space<hbm>>, %arg6: memref<20480x128xf32, #tpu.memory_space<hbm>>, %arg7: memref<80xi32, #tpu.memory_space<vmem>>, %arg8: memref<80xi32, #tpu.memory_space<vmem>>, %arg9: memref<80x128xf32, #tpu.memory_space<vmem>>, %arg10: memref<10240x128xf32, #tpu.memory_space<vmem_shared>>, %arg11: memref<!tpu.dma_semaphore, #tpu.memory_space<semaphore_mem>>) attributes {dimension_semantics = [#tpu.dimension_semantics<core_parallel>, #tpu.dimension_semantics<subcore_parallel>], iteration_bounds = array<i64: 2, 16>, scalar_prefetch = 0 : i64, scratch_operands = 5 : i64, tpu.core_type = #tpu.core_type<sc_vector_subcore>, window_params = [{transform_indices = #map}, {transform_indices = #map1}, {transform_indices = #map1}, {transform_indices = #map}, {transform_indices = #map}]} {
    %mul3A = arith.constant 640 : i32
    %mul3A_0 = arith.muli %arg1, %mul3A : i32
    "tpu.region"() ({
      %run_scoped3A = tpu.sem_alloc : memref<!tpu.dma_semaphore, #tpu.memory_space<semaphore_mem>>
      %dma_start3A = arith.constant 0 : i32
      %dma_start3A_9 = tpu.memref_slice %arg10[%mul3A_0, %dma_start3A] : memref<10240x128xf32, #tpu.memory_space<vmem_shared>> -> memref<640x128xf32, #tpu.memory_space<vmem_shared>>
      %dma_start3A_10 = arith.constant 0 : i32
      %dma_start3A_11 = tpu.memref_slice %arg5[%mul3A_0, %dma_start3A_10] : memref<10240x128xf32, #tpu.memory_space<hbm>> -> memref<640x128xf32, #tpu.memory_space<hbm>>
      tpu.enqueue_dma source(%dma_start3A_11 : memref<640x128xf32, #tpu.memory_space<hbm>>) target(%dma_start3A_9 : memref<640x128xf32, #tpu.memory_space<vmem_shared>>) target_semaphore(%run_scoped3A : memref<!tpu.dma_semaphore, #tpu.memory_space<semaphore_mem>>)
      %dma_wait3A = arith.constant 0 : i32
      %dma_wait3A_12 = tpu.memref_slice %arg10[%mul3A_0, %dma_wait3A] : memref<10240x128xf32, #tpu.memory_space<vmem_shared>> -> memref<640x128xf32, #tpu.memory_space<vmem_shared>>
      %dma_wait3A_13 = arith.constant 0 : i32
      %dma_wait3A_14 = tpu.memref_slice %arg5[%mul3A_0, %dma_wait3A_13] : memref<10240x128xf32, #tpu.memory_space<hbm>> -> memref<640x128xf32, #tpu.memory_space<hbm>>
      tpu.wait_dma2 semaphore(%run_scoped3A : memref<!tpu.dma_semaphore, #tpu.memory_space<semaphore_mem>>) src(%dma_wait3A_14 : memref<640x128xf32, #tpu.memory_space<hbm>>) dst(%dma_wait3A_12 : memref<640x128xf32, #tpu.memory_space<vmem_shared>>)
      tpu.yield
    }) : () -> ()
    %barrier3A = arith.constant 0 : index
    tpu.barrier barrier_id(%barrier3A)
    %mul3A_1 = arith.constant 10240 : i32
    %mul3A_2 = arith.muli %arg0, %mul3A_1 : i32
    %scan3A = arith.constant 0 : i32
    %scan3A_3 = arith.constant 0 : i32
    %scan3A_4 = arith.constant 250 : i32
    %scan3A_5 = arith.addi %scan3A_3, %scan3A_4 : i32
    %scan3A_6 = arith.constant 1 : i32
    scf.for %scan3A_9 = %scan3A_3 to %scan3A_5 step %scan3A_6  : i32 {
      %mul3A_10 = arith.constant 320000 : i32
      %mul3A_11 = arith.muli %arg0, %mul3A_10 : i32
      %mul3A_12 = arith.constant 20000 : i32
      %mul3A_13 = arith.muli %arg1, %mul3A_12 : i32
      %add3A_14 = arith.addi %mul3A_11, %mul3A_13 : i32
      %mul3A_15 = arith.constant 80 : i32
      %mul3A_16 = arith.muli %scan3A_9, %mul3A_15 : i32
      %add3A_17 = arith.addi %add3A_14, %mul3A_16 : i32
      "tpu.region"() ({
        %run_scoped3A = tpu.sem_alloc : memref<!tpu.dma_semaphore, #tpu.memory_space<semaphore_mem>>
        %dma_start3A_64 = tpu.memref_slice %arg3[%add3A_17] : memref<640000xi32, #tpu.memory_space<hbm>> -> memref<80xi32, #tpu.memory_space<hbm>>
        %dma_start3A_65 = tpu.memref_slice %arg3[%add3A_17] : memref<640000xi32, #tpu.memory_space<hbm>> -> memref<80xi32, #tpu.memory_space<hbm>>
        tpu.enqueue_dma source(%dma_start3A_65 : memref<80xi32, #tpu.memory_space<hbm>>) target(%arg7 : memref<80xi32, #tpu.memory_space<vmem>>) target_semaphore(%run_scoped3A : memref<!tpu.dma_semaphore, #tpu.memory_space<semaphore_mem>>)
        %dma_wait3A_66 = tpu.memref_slice %arg3[%add3A_17] : memref<640000xi32, #tpu.memory_space<hbm>> -> memref<80xi32, #tpu.memory_space<hbm>>
        %dma_wait3A_67 = tpu.memref_slice %arg3[%add3A_17] : memref<640000xi32, #tpu.memory_space<hbm>> -> memref<80xi32, #tpu.memory_space<hbm>>
        tpu.wait_dma2 semaphore(%run_scoped3A : memref<!tpu.dma_semaphore, #tpu.memory_space<semaphore_mem>>) src(%dma_wait3A_67 : memref<80xi32, #tpu.memory_space<hbm>>) dst(%arg7 : memref<80xi32, #tpu.memory_space<vmem>>)
        tpu.yield
      }) : () -> ()
      "tpu.region"() ({
        %run_scoped3A = tpu.sem_alloc : memref<!tpu.dma_semaphore, #tpu.memory_space<semaphore_mem>>
        %dma_start3A_64 = tpu.memref_slice %arg4[%add3A_17] : memref<640000xi32, #tpu.memory_space<hbm>> -> memref<80xi32, #tpu.memory_space<hbm>>
        %dma_start3A_65 = tpu.memref_slice %arg4[%add3A_17] : memref<640000xi32, #tpu.memory_space<hbm>> -> memref<80xi32, #tpu.memory_space<hbm>>
        tpu.enqueue_dma source(%dma_start3A_65 : memref<80xi32, #tpu.memory_space<hbm>>) target(%arg8 : memref<80xi32, #tpu.memory_space<vmem>>) target_semaphore(%run_scoped3A : memref<!tpu.dma_semaphore, #tpu.memory_space<semaphore_mem>>)
        %dma_wait3A_66 = tpu.memref_slice %arg4[%add3A_17] : memref<640000xi32, #tpu.memory_space<hbm>> -> memref<80xi32, #tpu.memory_space<hbm>>
        %dma_wait3A_67 = tpu.memref_slice %arg4[%add3A_17] : memref<640000xi32, #tpu.memory_space<hbm>> -> memref<80xi32, #tpu.memory_space<hbm>>
        tpu.wait_dma2 semaphore(%run_scoped3A : memref<!tpu.dma_semaphore, #tpu.memory_space<semaphore_mem>>) src(%dma_wait3A_67 : memref<80xi32, #tpu.memory_space<hbm>>) dst(%arg8 : memref<80xi32, #tpu.memory_space<vmem>>)
        tpu.yield
      }) : () -> ()
      %get3A = arith.constant 0 : index
      %get3A_18 = tpu.vector_load %arg7[%get3A] {strides = array<i32>} : memref<80xi32, #tpu.memory_space<vmem>>, vector<16xi32>,
      %get3A_19 = vector.shape_cast %get3A_18 : vector<16xi32> to vector<16xi32>
      %broadcast_in_dim3A = vector.broadcast %mul3A_2 : i32 to vector<16xi32>
      %add3A_20 = arith.addi %get3A_19, %broadcast_in_dim3A : vector<16xi32>
      %swap3A = arith.constant 0 : index
      %swap3A_21 = tpu.vector_load %arg7[%swap3A] {strides = array<i32>} : memref<80xi32, #tpu.memory_space<vmem>>, vector<16xi32>,
      %swap3A_22 = vector.shape_cast %swap3A_21 : vector<16xi32> to vector<16xi32>
      %swap3A_23 = vector.shape_cast %add3A_20 : vector<16xi32> to vector<16xi32>
      tpu.vector_store %arg7[%swap3A], %swap3A_23 {strides = array<i32>} : memref<80xi32, #tpu.memory_space<vmem>>, vector<16xi32>,
      %get3A_24 = arith.constant 16 : index
      %get3A_25 = tpu.vector_load %arg7[%get3A_24] {strides = array<i32>} : memref<80xi32, #tpu.memory_space<vmem>>, vector<16xi32>,
      %get3A_26 = vector.shape_cast %get3A_25 : vector<16xi32> to vector<16xi32>
      %broadcast_in_dim3A_27 = vector.broadcast %mul3A_2 : i32 to vector<16xi32>
      %add3A_28 = arith.addi %get3A_26, %broadcast_in_dim3A_27 : vector<16xi32>
      %swap3A_29 = arith.constant 16 : index
      %swap3A_30 = tpu.vector_load %arg7[%swap3A_29] {strides = array<i32>} : memref<80xi32, #tpu.memory_space<vmem>>, vector<16xi32>,
      %swap3A_31 = vector.shape_cast %swap3A_30 : vector<16xi32> to vector<16xi32>
      %swap3A_32 = vector.shape_cast %add3A_28 : vector<16xi32> to vector<16xi32>
      tpu.vector_store %arg7[%swap3A_29], %swap3A_32 {strides = array<i32>} : memref<80xi32, #tpu.memory_space<vmem>>, vector<16xi32>,
      %get3A_33 = arith.constant 32 : index
      %get3A_34 = tpu.vector_load %arg7[%get3A_33] {strides = array<i32>} : memref<80xi32, #tpu.memory_space<vmem>>, vector<16xi32>,
      %get3A_35 = vector.shape_cast %get3A_34 : vector<16xi32> to vector<16xi32>
      %broadcast_in_dim3A_36 = vector.broadcast %mul3A_2 : i32 to vector<16xi32>
      %add3A_37 = arith.addi %get3A_35, %broadcast_in_dim3A_36 : vector<16xi32>
      %swap3A_38 = arith.constant 32 : index
      %swap3A_39 = tpu.vector_load %arg7[%swap3A_38] {strides = array<i32>} : memref<80xi32, #tpu.memory_space<vmem>>, vector<16xi32>,
      %swap3A_40 = vector.shape_cast %swap3A_39 : vector<16xi32> to vector<16xi32>
      %swap3A_41 = vector.shape_cast %add3A_37 : vector<16xi32> to vector<16xi32>
      tpu.vector_store %arg7[%swap3A_38], %swap3A_41 {strides = array<i32>} : memref<80xi32, #tpu.memory_space<vmem>>, vector<16xi32>,
      %get3A_42 = arith.constant 48 : index
      %get3A_43 = tpu.vector_load %arg7[%get3A_42] {strides = array<i32>} : memref<80xi32, #tpu.memory_space<vmem>>, vector<16xi32>,
      %get3A_44 = vector.shape_cast %get3A_43 : vector<16xi32> to vector<16xi32>
      %broadcast_in_dim3A_45 = vector.broadcast %mul3A_2 : i32 to vector<16xi32>
      %add3A_46 = arith.addi %get3A_44, %broadcast_in_dim3A_45 : vector<16xi32>
      %swap3A_47 = arith.constant 48 : index
      %swap3A_48 = tpu.vector_load %arg7[%swap3A_47] {strides = array<i32>} : memref<80xi32, #tpu.memory_space<vmem>>, vector<16xi32>,
      %swap3A_49 = vector.shape_cast %swap3A_48 : vector<16xi32> to vector<16xi32>
      %swap3A_50 = vector.shape_cast %add3A_46 : vector<16xi32> to vector<16xi32>
      tpu.vector_store %arg7[%swap3A_47], %swap3A_50 {strides = array<i32>} : memref<80xi32, #tpu.memory_space<vmem>>, vector<16xi32>,
      %get3A_51 = arith.constant 64 : index
      %get3A_52 = tpu.vector_load %arg7[%get3A_51] {strides = array<i32>} : memref<80xi32, #tpu.memory_space<vmem>>, vector<16xi32>,
      %get3A_53 = vector.shape_cast %get3A_52 : vector<16xi32> to vector<16xi32>
      %broadcast_in_dim3A_54 = vector.broadcast %mul3A_2 : i32 to vector<16xi32>
      %add3A_55 = arith.addi %get3A_53, %broadcast_in_dim3A_54 : vector<16xi32>
      %swap3A_56 = arith.constant 64 : index
      %swap3A_57 = tpu.vector_load %arg7[%swap3A_56] {strides = array<i32>} : memref<80xi32, #tpu.memory_space<vmem>>, vector<16xi32>,
      %swap3A_58 = vector.shape_cast %swap3A_57 : vector<16xi32> to vector<16xi32>
      %swap3A_59 = vector.shape_cast %add3A_55 : vector<16xi32> to vector<16xi32>
      tpu.vector_store %arg7[%swap3A_56], %swap3A_59 {strides = array<i32>} : memref<80xi32, #tpu.memory_space<vmem>>, vector<16xi32>,
      %dma_start3A = arith.constant 0 : i32
      %dma_start3A_60 = arith.constant 0 : i32
      %dma_start3A_61 = tpu.memref_slice %arg2[%dma_start3A, %dma_start3A_60] : memref<20480x128xf32, #tpu.memory_space<hbm>> -> memref<20480x128xf32, #tpu.memory_space<hbm>>
      tpu.enqueue_indirect_dma source(%dma_start3A_61 : memref<20480x128xf32, #tpu.memory_space<hbm>>) target(%arg9 : memref<80x128xf32, #tpu.memory_space<vmem>>) offsets(%arg7 : memref<80xi32, #tpu.memory_space<vmem>>) semaphore(%arg11 : memref<!tpu.dma_semaphore, #tpu.memory_space<semaphore_mem>>)
      %dma_wait3A = arith.constant 0 : i32
      %dma_wait3A_62 = arith.constant 0 : i32
      %dma_wait3A_63 = tpu.memref_slice %arg2[%dma_wait3A, %dma_wait3A_62] : memref<20480x128xf32, #tpu.memory_space<hbm>> -> memref<20480x128xf32, #tpu.memory_space<hbm>>
      tpu.wait_indirect_dma semaphore(%arg11 : memref<!tpu.dma_semaphore, #tpu.memory_space<semaphore_mem>>) src(%dma_wait3A_63 : memref<20480x128xf32, #tpu.memory_space<hbm>>) dst(%arg9 : memref<80x128xf32, #tpu.memory_space<vmem>>)
      "tpu.region"() ({
        %run_scoped3A = tpu.sem_alloc : memref<!tpu.dma_semaphore, #tpu.memory_space<semaphore_mem>>
        %dma_start3A_64 = arith.constant 0 : i32
        %dma_start3A_65 = arith.constant 0 : i32
        %dma_start3A_66 = tpu.memref_slice %arg10[%dma_start3A_64, %dma_start3A_65] : memref<10240x128xf32, #tpu.memory_space<vmem_shared>> -> memref<10240x128xf32, #tpu.memory_space<vmem_shared>>
        tpu.enqueue_indirect_dma source(%arg9 : memref<80x128xf32, #tpu.memory_space<vmem>>) target(%dma_start3A_66 : memref<10240x128xf32, #tpu.memory_space<vmem_shared>>) offsets(%arg8 : memref<80xi32, #tpu.memory_space<vmem>>) semaphore(%run_scoped3A : memref<!tpu.dma_semaphore, #tpu.memory_space<semaphore_mem>>) {add = true}
        %dma_wait3A_67 = arith.constant 0 : i32
        %dma_wait3A_68 = arith.constant 0 : i32
        %dma_wait3A_69 = tpu.memref_slice %arg10[%dma_wait3A_67, %dma_wait3A_68] : memref<10240x128xf32, #tpu.memory_space<vmem_shared>> -> memref<10240x128xf32, #tpu.memory_space<vmem_shared>>
        tpu.wait_indirect_dma semaphore(%run_scoped3A : memref<!tpu.dma_semaphore, #tpu.memory_space<semaphore_mem>>) src(%arg9 : memref<80x128xf32, #tpu.memory_space<vmem>>) dst(%dma_wait3A_69 : memref<10240x128xf32, #tpu.memory_space<vmem_shared>>)
        tpu.yield
      }) : () -> ()
    }
    %scan3A_7 = arith.constant 250 : i32
    %barrier3A_8 = arith.constant 0 : index
    tpu.barrier barrier_id(%barrier3A_8)
    %add3A = arith.addi %mul3A_2, %mul3A_0 : i32
    "tpu.region"() ({
      %run_scoped3A = tpu.sem_alloc : memref<!tpu.dma_semaphore, #tpu.memory_space<semaphore_mem>>
      %dma_start3A = arith.constant 0 : i32
      %dma_start3A_9 = tpu.memref_slice %arg6[%add3A, %dma_start3A] : memref<20480x128xf32, #tpu.memory_space<hbm>> -> memref<640x128xf32, #tpu.memory_space<hbm>>
      %dma_start3A_10 = arith.constant 0 : i32
      %dma_start3A_11 = tpu.memref_slice %arg10[%mul3A_0, %dma_start3A_10] : memref<10240x128xf32, #tpu.memory_space<vmem_shared>> -> memref<640x128xf32, #tpu.memory_space<vmem_shared>>
      tpu.enqueue_dma source(%dma_start3A_11 : memref<640x128xf32, #tpu.memory_space<vmem_shared>>) target(%dma_start3A_9 : memref<640x128xf32, #tpu.memory_space<hbm>>) target_semaphore(%run_scoped3A : memref<!tpu.dma_semaphore, #tpu.memory_space<semaphore_mem>>)
      %dma_wait3A = arith.constant 0 : i32
      %dma_wait3A_12 = tpu.memref_slice %arg6[%add3A, %dma_wait3A] : memref<20480x128xf32, #tpu.memory_space<hbm>> -> memref<640x128xf32, #tpu.memory_space<hbm>>
      %dma_wait3A_13 = arith.constant 0 : i32
      %dma_wait3A_14 = tpu.memref_slice %arg10[%mul3A_0, %dma_wait3A_13] : memref<10240x128xf32, #tpu.memory_space<vmem_shared>> -> memref<640x128xf32, #tpu.memory_space<vmem_shared>>
      tpu.wait_dma2 semaphore(%run_scoped3A : memref<!tpu.dma_semaphore, #tpu.memory_space<semaphore_mem>>) src(%dma_wait3A_14 : memref<640x128xf32, #tpu.memory_space<vmem_shared>>) dst(%dma_wait3A_12 : memref<640x128xf32, #tpu.memory_space<hbm>>)
      tpu.yield
    }) : () -> ()
    return
  }
}

#map = affine_map<(d0, d1) -> (0, 0)>
#map1 = affine_map<(d0, d1) -> (0)>
module attributes {stable_mosaic.version = 14 : i64} {
  func.func @_agg_kernel(%arg0: i32, %arg1: i32, %arg2: memref<20480x128xf32, #tpu.memory_space<hbm>>, %arg3: memref<640000xi32, #tpu.memory_space<hbm>>, %arg4: memref<640000xi32, #tpu.memory_space<hbm>>, %arg5: memref<10240x128xf32, #tpu.memory_space<hbm>>, %arg6: memref<20480x128xf32, #tpu.memory_space<hbm>>, %arg7: memref<80xi32, #tpu.memory_space<vmem>>, %arg8: memref<80xi32, #tpu.memory_space<vmem>>, %arg9: memref<80x128xf32, #tpu.memory_space<vmem>>, %arg10: memref<10240x128xf32, #tpu.memory_space<vmem_shared>>, %arg11: memref<!tpu.dma_semaphore, #tpu.memory_space<semaphore_mem>>) attributes {dimension_semantics = [#tpu.dimension_semantics<core_parallel>, #tpu.dimension_semantics<subcore_parallel>], iteration_bounds = array<i64: 2, 16>, scalar_prefetch = 0 : i64, scratch_operands = 5 : i64, tpu.core_type = #tpu.core_type<sc_vector_subcore>, window_params = [{transform_indices = #map}, {transform_indices = #map1}, {transform_indices = #map1}, {transform_indices = #map}, {transform_indices = #map}]} {
    %mul3A = arith.constant 640 : i32
    %mul3A_0 = arith.muli %arg1, %mul3A : i32
    "tpu.region"() ({
      %run_scoped3A = tpu.sem_alloc : memref<!tpu.dma_semaphore, #tpu.memory_space<semaphore_mem>>
      %dma_start3A = arith.constant 0 : i32
      %dma_start3A_9 = tpu.memref_slice %arg10[%mul3A_0, %dma_start3A] : memref<10240x128xf32, #tpu.memory_space<vmem_shared>> -> memref<640x128xf32, #tpu.memory_space<vmem_shared>>
      %dma_start3A_10 = arith.constant 0 : i32
      %dma_start3A_11 = tpu.memref_slice %arg5[%mul3A_0, %dma_start3A_10] : memref<10240x128xf32, #tpu.memory_space<hbm>> -> memref<640x128xf32, #tpu.memory_space<hbm>>
      tpu.enqueue_dma source(%dma_start3A_11 : memref<640x128xf32, #tpu.memory_space<hbm>>) target(%dma_start3A_9 : memref<640x128xf32, #tpu.memory_space<vmem_shared>>) target_semaphore(%run_scoped3A : memref<!tpu.dma_semaphore, #tpu.memory_space<semaphore_mem>>)
      %dma_wait3A = arith.constant 0 : i32
      %dma_wait3A_12 = tpu.memref_slice %arg10[%mul3A_0, %dma_wait3A] : memref<10240x128xf32, #tpu.memory_space<vmem_shared>> -> memref<640x128xf32, #tpu.memory_space<vmem_shared>>
      %dma_wait3A_13 = arith.constant 0 : i32
      %dma_wait3A_14 = tpu.memref_slice %arg5[%mul3A_0, %dma_wait3A_13] : memref<10240x128xf32, #tpu.memory_space<hbm>> -> memref<640x128xf32, #tpu.memory_space<hbm>>
      tpu.wait_dma2 semaphore(%run_scoped3A : memref<!tpu.dma_semaphore, #tpu.memory_space<semaphore_mem>>) src(%dma_wait3A_14 : memref<640x128xf32, #tpu.memory_space<hbm>>) dst(%dma_wait3A_12 : memref<640x128xf32, #tpu.memory_space<vmem_shared>>)
      tpu.yield
    }) : () -> ()
    %barrier3A = arith.constant 0 : index
    tpu.barrier barrier_id(%barrier3A)
    %mul3A_1 = arith.constant 10240 : i32
    %mul3A_2 = arith.muli %arg0, %mul3A_1 : i32
    %scan3A = arith.constant 0 : i32
    %scan3A_3 = arith.constant 0 : i32
    %scan3A_4 = arith.constant 250 : i32
    %scan3A_5 = arith.addi %scan3A_3, %scan3A_4 : i32
    %scan3A_6 = arith.constant 1 : i32
    scf.for %scan3A_9 = %scan3A_3 to %scan3A_5 step %scan3A_6  : i32 {
      %mul3A_10 = arith.constant 320000 : i32
      %mul3A_11 = arith.muli %arg0, %mul3A_10 : i32
      %mul3A_12 = arith.constant 20000 : i32
      %mul3A_13 = arith.muli %arg1, %mul3A_12 : i32
      %add3A_14 = arith.addi %mul3A_11, %mul3A_13 : i32
      %mul3A_15 = arith.constant 80 : i32
      %mul3A_16 = arith.muli %scan3A_9, %mul3A_15 : i32
      %add3A_17 = arith.addi %add3A_14, %mul3A_16 : i32
      "tpu.region"() ({
        %run_scoped3A = tpu.sem_alloc : memref<!tpu.dma_semaphore, #tpu.memory_space<semaphore_mem>>
        %dma_start3A_64 = tpu.memref_slice %arg3[%add3A_17] : memref<640000xi32, #tpu.memory_space<hbm>> -> memref<80xi32, #tpu.memory_space<hbm>>
        %dma_start3A_65 = tpu.memref_slice %arg3[%add3A_17] : memref<640000xi32, #tpu.memory_space<hbm>> -> memref<80xi32, #tpu.memory_space<hbm>>
        tpu.enqueue_dma source(%dma_start3A_65 : memref<80xi32, #tpu.memory_space<hbm>>) target(%arg7 : memref<80xi32, #tpu.memory_space<vmem>>) target_semaphore(%run_scoped3A : memref<!tpu.dma_semaphore, #tpu.memory_space<semaphore_mem>>)
        %dma_wait3A_66 = tpu.memref_slice %arg3[%add3A_17] : memref<640000xi32, #tpu.memory_space<hbm>> -> memref<80xi32, #tpu.memory_space<hbm>>
        %dma_wait3A_67 = tpu.memref_slice %arg3[%add3A_17] : memref<640000xi32, #tpu.memory_space<hbm>> -> memref<80xi32, #tpu.memory_space<hbm>>
        tpu.wait_dma2 semaphore(%run_scoped3A : memref<!tpu.dma_semaphore, #tpu.memory_space<semaphore_mem>>) src(%dma_wait3A_67 : memref<80xi32, #tpu.memory_space<hbm>>) dst(%arg7 : memref<80xi32, #tpu.memory_space<vmem>>)
        tpu.yield
      }) : () -> ()
      "tpu.region"() ({
        %run_scoped3A = tpu.sem_alloc : memref<!tpu.dma_semaphore, #tpu.memory_space<semaphore_mem>>
        %dma_start3A_64 = tpu.memref_slice %arg4[%add3A_17] : memref<640000xi32, #tpu.memory_space<hbm>> -> memref<80xi32, #tpu.memory_space<hbm>>
        %dma_start3A_65 = tpu.memref_slice %arg4[%add3A_17] : memref<640000xi32, #tpu.memory_space<hbm>> -> memref<80xi32, #tpu.memory_space<hbm>>
        tpu.enqueue_dma source(%dma_start3A_65 : memref<80xi32, #tpu.memory_space<hbm>>) target(%arg8 : memref<80xi32, #tpu.memory_space<vmem>>) target_semaphore(%run_scoped3A : memref<!tpu.dma_semaphore, #tpu.memory_space<semaphore_mem>>)
        %dma_wait3A_66 = tpu.memref_slice %arg4[%add3A_17] : memref<640000xi32, #tpu.memory_space<hbm>> -> memref<80xi32, #tpu.memory_space<hbm>>
        %dma_wait3A_67 = tpu.memref_slice %arg4[%add3A_17] : memref<640000xi32, #tpu.memory_space<hbm>> -> memref<80xi32, #tpu.memory_space<hbm>>
        tpu.wait_dma2 semaphore(%run_scoped3A : memref<!tpu.dma_semaphore, #tpu.memory_space<semaphore_mem>>) src(%dma_wait3A_67 : memref<80xi32, #tpu.memory_space<hbm>>) dst(%arg8 : memref<80xi32, #tpu.memory_space<vmem>>)
        tpu.yield
      }) : () -> ()
      %get3A = arith.constant 0 : index
      %get3A_18 = tpu.vector_load %arg7[%get3A] {strides = array<i32>} : memref<80xi32, #tpu.memory_space<vmem>>, vector<16xi32>,
      %get3A_19 = vector.shape_cast %get3A_18 : vector<16xi32> to vector<16xi32>
      %broadcast_in_dim3A = vector.broadcast %mul3A_2 : i32 to vector<16xi32>
      %add3A_20 = arith.addi %get3A_19, %broadcast_in_dim3A : vector<16xi32>
      %swap3A = arith.constant 0 : index
      %swap3A_21 = tpu.vector_load %arg7[%swap3A] {strides = array<i32>} : memref<80xi32, #tpu.memory_space<vmem>>, vector<16xi32>,
      %swap3A_22 = vector.shape_cast %swap3A_21 : vector<16xi32> to vector<16xi32>
      %swap3A_23 = vector.shape_cast %add3A_20 : vector<16xi32> to vector<16xi32>
      tpu.vector_store %arg7[%swap3A], %swap3A_23 {strides = array<i32>} : memref<80xi32, #tpu.memory_space<vmem>>, vector<16xi32>,
      %get3A_24 = arith.constant 16 : index
      %get3A_25 = tpu.vector_load %arg7[%get3A_24] {strides = array<i32>} : memref<80xi32, #tpu.memory_space<vmem>>, vector<16xi32>,
      %get3A_26 = vector.shape_cast %get3A_25 : vector<16xi32> to vector<16xi32>
      %broadcast_in_dim3A_27 = vector.broadcast %mul3A_2 : i32 to vector<16xi32>
      %add3A_28 = arith.addi %get3A_26, %broadcast_in_dim3A_27 : vector<16xi32>
      %swap3A_29 = arith.constant 16 : index
      %swap3A_30 = tpu.vector_load %arg7[%swap3A_29] {strides = array<i32>} : memref<80xi32, #tpu.memory_space<vmem>>, vector<16xi32>,
      %swap3A_31 = vector.shape_cast %swap3A_30 : vector<16xi32> to vector<16xi32>
      %swap3A_32 = vector.shape_cast %add3A_28 : vector<16xi32> to vector<16xi32>
      tpu.vector_store %arg7[%swap3A_29], %swap3A_32 {strides = array<i32>} : memref<80xi32, #tpu.memory_space<vmem>>, vector<16xi32>,
      %get3A_33 = arith.constant 32 : index
      %get3A_34 = tpu.vector_load %arg7[%get3A_33] {strides = array<i32>} : memref<80xi32, #tpu.memory_space<vmem>>, vector<16xi32>,
      %get3A_35 = vector.shape_cast %get3A_34 : vector<16xi32> to vector<16xi32>
      %broadcast_in_dim3A_36 = vector.broadcast %mul3A_2 : i32 to vector<16xi32>
      %add3A_37 = arith.addi %get3A_35, %broadcast_in_dim3A_36 : vector<16xi32>
      %swap3A_38 = arith.constant 32 : index
      %swap3A_39 = tpu.vector_load %arg7[%swap3A_38] {strides = array<i32>} : memref<80xi32, #tpu.memory_space<vmem>>, vector<16xi32>,
      %swap3A_40 = vector.shape_cast %swap3A_39 : vector<16xi32> to vector<16xi32>
      %swap3A_41 = vector.shape_cast %add3A_37 : vector<16xi32> to vector<16xi32>
      tpu.vector_store %arg7[%swap3A_38], %swap3A_41 {strides = array<i32>} : memref<80xi32, #tpu.memory_space<vmem>>, vector<16xi32>,
      %get3A_42 = arith.constant 48 : index
      %get3A_43 = tpu.vector_load %arg7[%get3A_42] {strides = array<i32>} : memref<80xi32, #tpu.memory_space<vmem>>, vector<16xi32>,
      %get3A_44 = vector.shape_cast %get3A_43 : vector<16xi32> to vector<16xi32>
      %broadcast_in_dim3A_45 = vector.broadcast %mul3A_2 : i32 to vector<16xi32>
      %add3A_46 = arith.addi %get3A_44, %broadcast_in_dim3A_45 : vector<16xi32>
      %swap3A_47 = arith.constant 48 : index
      %swap3A_48 = tpu.vector_load %arg7[%swap3A_47] {strides = array<i32>} : memref<80xi32, #tpu.memory_space<vmem>>, vector<16xi32>,
      %swap3A_49 = vector.shape_cast %swap3A_48 : vector<16xi32> to vector<16xi32>
      %swap3A_50 = vector.shape_cast %add3A_46 : vector<16xi32> to vector<16xi32>
      tpu.vector_store %arg7[%swap3A_47], %swap3A_50 {strides = array<i32>} : memref<80xi32, #tpu.memory_space<vmem>>, vector<16xi32>,
      %get3A_51 = arith.constant 64 : index
      %get3A_52 = tpu.vector_load %arg7[%get3A_51] {strides = array<i32>} : memref<80xi32, #tpu.memory_space<vmem>>, vector<16xi32>,
      %get3A_53 = vector.shape_cast %get3A_52 : vector<16xi32> to vector<16xi32>
      %broadcast_in_dim3A_54 = vector.broadcast %mul3A_2 : i32 to vector<16xi32>
      %add3A_55 = arith.addi %get3A_53, %broadcast_in_dim3A_54 : vector<16xi32>
      %swap3A_56 = arith.constant 64 : index
      %swap3A_57 = tpu.vector_load %arg7[%swap3A_56] {strides = array<i32>} : memref<80xi32, #tpu.memory_space<vmem>>, vector<16xi32>,
      %swap3A_58 = vector.shape_cast %swap3A_57 : vector<16xi32> to vector<16xi32>
      %swap3A_59 = vector.shape_cast %add3A_55 : vector<16xi32> to vector<16xi32>
      tpu.vector_store %arg7[%swap3A_56], %swap3A_59 {strides = array<i32>} : memref<80xi32, #tpu.memory_space<vmem>>, vector<16xi32>,
      %dma_start3A = arith.constant 0 : i32
      %dma_start3A_60 = arith.constant 0 : i32
      %dma_start3A_61 = tpu.memref_slice %arg2[%dma_start3A, %dma_start3A_60] : memref<20480x128xf32, #tpu.memory_space<hbm>> -> memref<20480x128xf32, #tpu.memory_space<hbm>>
      tpu.enqueue_indirect_dma source(%dma_start3A_61 : memref<20480x128xf32, #tpu.memory_space<hbm>>) target(%arg9 : memref<80x128xf32, #tpu.memory_space<vmem>>) offsets(%arg7 : memref<80xi32, #tpu.memory_space<vmem>>) semaphore(%arg11 : memref<!tpu.dma_semaphore, #tpu.memory_space<semaphore_mem>>)
      %dma_wait3A = arith.constant 0 : i32
      %dma_wait3A_62 = arith.constant 0 : i32
      %dma_wait3A_63 = tpu.memref_slice %arg2[%dma_wait3A, %dma_wait3A_62] : memref<20480x128xf32, #tpu.memory_space<hbm>> -> memref<20480x128xf32, #tpu.memory_space<hbm>>
      tpu.wait_indirect_dma semaphore(%arg11 : memref<!tpu.dma_semaphore, #tpu.memory_space<semaphore_mem>>) src(%dma_wait3A_63 : memref<20480x128xf32, #tpu.memory_space<hbm>>) dst(%arg9 : memref<80x128xf32, #tpu.memory_space<vmem>>)
      "tpu.region"() ({
        %run_scoped3A = tpu.sem_alloc : memref<!tpu.dma_semaphore, #tpu.memory_space<semaphore_mem>>
        %dma_start3A_64 = arith.constant 0 : i32
        %dma_start3A_65 = arith.constant 0 : i32
        %dma_start3A_66 = tpu.memref_slice %arg10[%dma_start3A_64, %dma_start3A_65] : memref<10240x128xf32, #tpu.memory_space<vmem_shared>> -> memref<10240x128xf32, #tpu.memory_space<vmem_shared>>
        tpu.enqueue_indirect_dma source(%arg9 : memref<80x128xf32, #tpu.memory_space<vmem>>) target(%dma_start3A_66 : memref<10240x128xf32, #tpu.memory_space<vmem_shared>>) offsets(%arg8 : memref<80xi32, #tpu.memory_space<vmem>>) semaphore(%run_scoped3A : memref<!tpu.dma_semaphore, #tpu.memory_space<semaphore_mem>>) {add = true}
        %dma_wait3A_67 = arith.constant 0 : i32
        %dma_wait3A_68 = arith.constant 0 : i32
        %dma_wait3A_69 = tpu.memref_slice %arg10[%dma_wait3A_67, %dma_wait3A_68] : memref<10240x128xf32, #tpu.memory_space<vmem_shared>> -> memref<10240x128xf32, #tpu.memory_space<vmem_shared>>
        tpu.wait_indirect_dma semaphore(%run_scoped3A : memref<!tpu.dma_semaphore, #tpu.memory_space<semaphore_mem>>) src(%arg9 : memref<80x128xf32, #tpu.memory_space<vmem>>) dst(%dma_wait3A_69 : memref<10240x128xf32, #tpu.memory_space<vmem_shared>>)
        tpu.yield
      }) : () -> ()
    }
    %scan3A_7 = arith.constant 250 : i32
    %barrier3A_8 = arith.constant 0 : index
    tpu.barrier barrier_id(%barrier3A_8)
    %add3A = arith.addi %mul3A_2, %mul3A_0 : i32
    "tpu.region"() ({
      %run_scoped3A = tpu.sem_alloc : memref<!tpu.dma_semaphore, #tpu.memory_space<semaphore_mem>>
      %dma_start3A = arith.constant 0 : i32
      %dma_start3A_9 = tpu.memref_slice %arg6[%add3A, %dma_start3A] : memref<20480x128xf32, #tpu.memory_space<hbm>> -> memref<640x128xf32, #tpu.memory_space<hbm>>
      %dma_start3A_10 = arith.constant 0 : i32
      %dma_start3A_11 = tpu.memref_slice %arg10[%mul3A_0, %dma_start3A_10] : memref<10240x128xf32, #tpu.memory_space<vmem_shared>> -> memref<640x128xf32, #tpu.memory_space<vmem_shared>>
      tpu.enqueue_dma source(%dma_start3A_11 : memref<640x128xf32, #tpu.memory_space<vmem_shared>>) target(%dma_start3A_9 : memref<640x128xf32, #tpu.memory_space<hbm>>) target_semaphore(%run_scoped3A : memref<!tpu.dma_semaphore, #tpu.memory_space<semaphore_mem>>)
      %dma_wait3A = arith.constant 0 : i32
      %dma_wait3A_12 = tpu.memref_slice %arg6[%add3A, %dma_wait3A] : memref<20480x128xf32, #tpu.memory_space<hbm>> -> memref<640x128xf32, #tpu.memory_space<hbm>>
      %dma_wait3A_13 = arith.constant 0 : i32
      %dma_wait3A_14 = tpu.memref_slice %arg10[%mul3A_0, %dma_wait3A_13] : memref<10240x128xf32, #tpu.memory_space<vmem_shared>> -> memref<640x128xf32, #tpu.memory_space<vmem_shared>>
      tpu.wait_dma2 semaphore(%run_scoped3A : memref<!tpu.dma_semaphore, #tpu.memory_space<semaphore_mem>>) src(%dma_wait3A_14 : memref<640x128xf32, #tpu.memory_space<vmem_shared>>) dst(%dma_wait3A_12 : memref<640x128xf32, #tpu.memory_space<hbm>>)
      tpu.yield
    }) : () -> ()
    return
  }
}

module attributes {stable_mosaic.version = 14 : i64} {
  func.func @_k1_body(%arg0: i32, %arg1: memref<1024x128xf32, #tpu.memory_space<vmem>>, %arg2: memref<128x128xf32, #tpu.memory_space<vmem>>, %arg3: memref<1x128xf32, #tpu.memory_space<vmem>>, %arg4: memref<1024x128xf32, #tpu.memory_space<vmem>>, %arg5: memref<1024x128xf32, #tpu.memory_space<vmem>>) attributes {dimension_semantics = [#tpu.dimension_semantics<arbitrary>], iteration_bounds = array<i64: 20>, scalar_prefetch = 0 : i64, scratch_operands = 0 : i64, tpu.core_type = #tpu.core_type<tc>, window_params = [{transform_indices = @transform_0, window_bounds = array<i64: 1024, 128>}, {pipeline_mode = #tpu.pipeline_mode<synchronous>, transform_indices = @transform_1, window_bounds = array<i64: 128, 128>}, {pipeline_mode = #tpu.pipeline_mode<synchronous>, transform_indices = @transform_2, window_bounds = array<i64: 1, 128>}, {transform_indices = @transform_3, window_bounds = array<i64: 1024, 128>}, {transform_indices = @transform_4, window_bounds = array<i64: 1024, 128>}]} {
    %get3A = arith.constant 0 : index
    %get3A_0 = arith.constant 0 : index
    %get3A_1 = vector.load %arg1[%get3A, %get3A_0] : memref<1024x128xf32, #tpu.memory_space<vmem>>, vector<1024x128xf32>
    %get3A_2 = arith.constant 0 : index
    %get3A_3 = arith.constant 0 : index
    %get3A_4 = vector.load %arg2[%get3A_2, %get3A_3] : memref<128x128xf32, #tpu.memory_space<vmem>>, vector<128x128xf32>
    %dot_general3A = arith.constant dense<0.000000e+00> : vector<1024x128xf32>
    %dot_general3A_5 = tpu.matmul %get3A_1, %get3A_4, %dot_general3A {dimension_numbers = #tpu.dot_dimension_numbers<[1], [0], [0], [1], [0, 0, 1, 1], [], []>, transpose_lhs_hint = false} : vector<1024x128xf32>, vector<128x128xf32>, vector<1024x128xf32> -> vector<1024x128xf32>
    %get3A_6 = arith.constant 0 : index
    %get3A_7 = arith.constant 0 : index
    %get3A_8 = vector.load %arg3[%get3A_6, %get3A_7] : memref<1x128xf32, #tpu.memory_space<vmem>>, vector<1x128xf32>
    %add3A = vector.broadcast %get3A_8 : vector<1x128xf32> to vector<1024x128xf32>
    %add3A_9 = arith.addf %dot_general3A_5, %add3A : vector<1024x128xf32>
    %get3A_10 = arith.constant 0 : index
    %get3A_11 = arith.constant 0 : index
    %get3A_12 = vector.load %arg4[%get3A_10, %get3A_11] : memref<1024x128xf32, #tpu.memory_space<vmem>>, vector<1024x128xf32>
    %slice3A = vector.extract_strided_slice %get3A_12 {offsets = [0, 0], sizes = [1024, 1], strides = [1, 1]} : vector<1024x128xf32> to vector<1024x1xf32>
    %max3A = arith.constant 1.000000e+00 : f32
    %max3A_13 = vector.broadcast %max3A : f32 to vector<1024x1xf32>
    %max3A_14 = arith.maximumf %slice3A, %max3A_13 : vector<1024x1xf32>
    %rsqrt3A = math.rsqrt %max3A_14 : vector<1024x1xf32>
    %mul3A = vector.broadcast %rsqrt3A : vector<1024x1xf32> to vector<1024x128xf32>
    %mul3A_15 = arith.mulf %add3A_9, %mul3A : vector<1024x128xf32>
    %swap3A = arith.constant 0 : index
    %swap3A_16 = arith.constant 0 : index
    %swap3A_17 = vector.load %arg5[%swap3A, %swap3A_16] : memref<1024x128xf32, #tpu.memory_space<vmem>>, vector<1024x128xf32>
    tpu.vector_store %arg5[%swap3A, %swap3A_16], %mul3A_15 {strides = array<i32>} : memref<1024x128xf32, #tpu.memory_space<vmem>>, vector<1024x128xf32>,
    return
  }
  func.func @transform_0(%arg0: i32) -> (i32, i32) {
    %c0_i32 = arith.constant 0 : i32
    %c0_i32_0 = arith.constant 0 : i32
    return %arg0, %c0_i32 : i32, i32
  }
  func.func @transform_1(%arg0: i32) -> (i32, i32) {
    %c0_i32 = arith.constant 0 : i32
    %c0_i32_0 = arith.constant 0 : i32
    %c0_i32_1 = arith.constant 0 : i32
    return %c0_i32, %c0_i32_0 : i32, i32
  }
  func.func @transform_2(%arg0: i32) -> (i32, i32) {
    %c0_i32 = arith.constant 0 : i32
    %c0_i32_0 = arith.constant 0 : i32
    %c0_i32_1 = arith.constant 0 : i32
    return %c0_i32, %c0_i32_0 : i32, i32
  }
  func.func @transform_3(%arg0: i32) -> (i32, i32) {
    %c0_i32 = arith.constant 0 : i32
    %c0_i32_0 = arith.constant 0 : i32
    return %arg0, %c0_i32 : i32, i32
  }
  func.func @transform_4(%arg0: i32) -> (i32, i32) {
    %c0_i32 = arith.constant 0 : i32
    %c0_i32_0 = arith.constant 0 : i32
    return %arg0, %c0_i32 : i32, i32
  }
}

module attributes {stable_mosaic.version = 14 : i64} {
  func.func @_k2_body(%arg0: i32, %arg1: memref<1024x128xf32, #tpu.memory_space<vmem>>, %arg2: memref<128x128xf32, #tpu.memory_space<vmem>>, %arg3: memref<1x128xf32, #tpu.memory_space<vmem>>, %arg4: memref<1024x128xf32, #tpu.memory_space<vmem>>, %arg5: memref<1024x128xf32, #tpu.memory_space<vmem>>) attributes {dimension_semantics = [#tpu.dimension_semantics<arbitrary>], iteration_bounds = array<i64: 20>, scalar_prefetch = 0 : i64, scratch_operands = 0 : i64, tpu.core_type = #tpu.core_type<tc>, window_params = [{transform_indices = @transform_0, window_bounds = array<i64: 1024, 128>}, {pipeline_mode = #tpu.pipeline_mode<synchronous>, transform_indices = @transform_1, window_bounds = array<i64: 128, 128>}, {pipeline_mode = #tpu.pipeline_mode<synchronous>, transform_indices = @transform_2, window_bounds = array<i64: 1, 128>}, {transform_indices = @transform_3, window_bounds = array<i64: 1024, 128>}, {transform_indices = @transform_4, window_bounds = array<i64: 1024, 128>}]} {
    %get3A = arith.constant 0 : index
    %get3A_0 = arith.constant 0 : index
    %get3A_1 = vector.load %arg4[%get3A, %get3A_0] : memref<1024x128xf32, #tpu.memory_space<vmem>>, vector<1024x128xf32>
    %slice3A = vector.extract_strided_slice %get3A_1 {offsets = [0, 0], sizes = [1024, 1], strides = [1, 1]} : vector<1024x128xf32> to vector<1024x1xf32>
    %max3A = arith.constant 1.000000e+00 : f32
    %max3A_2 = vector.broadcast %max3A : f32 to vector<1024x1xf32>
    %max3A_3 = arith.maximumf %slice3A, %max3A_2 : vector<1024x1xf32>
    %rsqrt3A = math.rsqrt %max3A_3 : vector<1024x1xf32>
    %get3A_4 = arith.constant 0 : index
    %get3A_5 = arith.constant 0 : index
    %get3A_6 = vector.load %arg1[%get3A_4, %get3A_5] : memref<1024x128xf32, #tpu.memory_space<vmem>>, vector<1024x128xf32>
    %mul3A = vector.broadcast %rsqrt3A : vector<1024x1xf32> to vector<1024x128xf32>
    %mul3A_7 = arith.mulf %get3A_6, %mul3A : vector<1024x128xf32>
    %max3A_8 = arith.constant 0.000000e+00 : f32
    %max3A_9 = vector.broadcast %max3A_8 : f32 to vector<1024x128xf32>
    %max3A_10 = arith.maximumf %mul3A_7, %max3A_9 : vector<1024x128xf32>
    %get3A_11 = arith.constant 0 : index
    %get3A_12 = arith.constant 0 : index
    %get3A_13 = vector.load %arg2[%get3A_11, %get3A_12] : memref<128x128xf32, #tpu.memory_space<vmem>>, vector<128x128xf32>
    %dot_general3A = arith.constant dense<0.000000e+00> : vector<1024x128xf32>
    %dot_general3A_14 = tpu.matmul %max3A_10, %get3A_13, %dot_general3A {dimension_numbers = #tpu.dot_dimension_numbers<[1], [0], [0], [1], [0, 0, 1, 1], [], []>, transpose_lhs_hint = false} : vector<1024x128xf32>, vector<128x128xf32>, vector<1024x128xf32> -> vector<1024x128xf32>
    %get3A_15 = arith.constant 0 : index
    %get3A_16 = arith.constant 0 : index
    %get3A_17 = vector.load %arg3[%get3A_15, %get3A_16] : memref<1x128xf32, #tpu.memory_space<vmem>>, vector<1x128xf32>
    %add3A = vector.broadcast %get3A_17 : vector<1x128xf32> to vector<1024x128xf32>
    %add3A_18 = arith.addf %dot_general3A_14, %add3A : vector<1024x128xf32>
    %mul3A_19 = vector.broadcast %rsqrt3A : vector<1024x1xf32> to vector<1024x128xf32>
    %mul3A_20 = arith.mulf %add3A_18, %mul3A_19 : vector<1024x128xf32>
    %swap3A = arith.constant 0 : index
    %swap3A_21 = arith.constant 0 : index
    %swap3A_22 = vector.load %arg5[%swap3A, %swap3A_21] : memref<1024x128xf32, #tpu.memory_space<vmem>>, vector<1024x128xf32>
    tpu.vector_store %arg5[%swap3A, %swap3A_21], %mul3A_20 {strides = array<i32>} : memref<1024x128xf32, #tpu.memory_space<vmem>>, vector<1024x128xf32>,
    return
  }
  func.func @transform_0(%arg0: i32) -> (i32, i32) {
    %c0_i32 = arith.constant 0 : i32
    %c0_i32_0 = arith.constant 0 : i32
    return %arg0, %c0_i32 : i32, i32
  }
  func.func @transform_1(%arg0: i32) -> (i32, i32) {
    %c0_i32 = arith.constant 0 : i32
    %c0_i32_0 = arith.constant 0 : i32
    %c0_i32_1 = arith.constant 0 : i32
    return %c0_i32, %c0_i32_0 : i32, i32
  }
  func.func @transform_2(%arg0: i32) -> (i32, i32) {
    %c0_i32 = arith.constant 0 : i32
    %c0_i32_0 = arith.constant 0 : i32
    %c0_i32_1 = arith.constant 0 : i32
    return %c0_i32, %c0_i32_0 : i32, i32
  }
  func.func @transform_3(%arg0: i32) -> (i32, i32) {
    %c0_i32 = arith.constant 0 : i32
    %c0_i32_0 = arith.constant 0 : i32
    return %arg0, %c0_i32 : i32, i32
  }
  func.func @transform_4(%arg0: i32) -> (i32, i32) {
    %c0_i32 = arith.constant 0 : i32
    %c0_i32_0 = arith.constant 0 : i32
    return %arg0, %c0_i32 : i32, i32
  }
}

module attributes {stable_mosaic.version = 14 : i64} {
  func.func @_k3_body(%arg0: i32, %arg1: memref<1024x128xf32, #tpu.memory_space<vmem>>, %arg2: memref<1024x128xf32, #tpu.memory_space<vmem>>, %arg3: memref<1024x128xf32, #tpu.memory_space<vmem>>, %arg4: memref<1024x128xf32, #tpu.memory_space<vmem>>) attributes {dimension_semantics = [#tpu.dimension_semantics<arbitrary>], iteration_bounds = array<i64: 20>, scalar_prefetch = 0 : i64, scratch_operands = 0 : i64, tpu.core_type = #tpu.core_type<tc>, window_params = [{transform_indices = @transform_0, window_bounds = array<i64: 1024, 128>}, {transform_indices = @transform_1, window_bounds = array<i64: 1024, 128>}, {transform_indices = @transform_2, window_bounds = array<i64: 1024, 128>}, {transform_indices = @transform_3, window_bounds = array<i64: 1024, 128>}]} {
    %get3A = arith.constant 0 : index
    %get3A_0 = arith.constant 0 : index
    %get3A_1 = vector.load %arg1[%get3A, %get3A_0] : memref<1024x128xf32, #tpu.memory_space<vmem>>, vector<1024x128xf32>
    %get3A_2 = arith.constant 0 : index
    %get3A_3 = arith.constant 0 : index
    %get3A_4 = vector.load %arg2[%get3A_2, %get3A_3] : memref<1024x128xf32, #tpu.memory_space<vmem>>, vector<1024x128xf32>
    %slice3A = vector.extract_strided_slice %get3A_4 {offsets = [0, 0], sizes = [1024, 1], strides = [1, 1]} : vector<1024x128xf32> to vector<1024x1xf32>
    %max3A = arith.constant 1.000000e+00 : f32
    %max3A_5 = vector.broadcast %max3A : f32 to vector<1024x1xf32>
    %max3A_6 = arith.maximumf %slice3A, %max3A_5 : vector<1024x1xf32>
    %rsqrt3A = math.rsqrt %max3A_6 : vector<1024x1xf32>
    %mul3A = vector.broadcast %rsqrt3A : vector<1024x1xf32> to vector<1024x128xf32>
    %mul3A_7 = arith.mulf %get3A_1, %mul3A : vector<1024x128xf32>
    %swap3A = arith.constant 0 : index
    %swap3A_8 = arith.constant 0 : index
    %swap3A_9 = vector.load %arg3[%swap3A, %swap3A_8] : memref<1024x128xf32, #tpu.memory_space<vmem>>, vector<1024x128xf32>
    tpu.vector_store %arg3[%swap3A, %swap3A_8], %mul3A_7 {strides = array<i32>} : memref<1024x128xf32, #tpu.memory_space<vmem>>, vector<1024x128xf32>,
    %mul3A_10 = arith.mulf %mul3A_7, %mul3A_7 : vector<1024x128xf32>
    %reduce_sum3A = arith.constant dense<0.000000e+00> : vector<1024xf32>
    %reduce_sum3A_11 = vector.multi_reduction <add>, %mul3A_10, %reduce_sum3A [1] : vector<1024x128xf32> to vector<1024xf32>
    %broadcast_in_dim3A = vector.shape_cast %reduce_sum3A_11 : vector<1024xf32> to vector<1024x1xf32>
    %sqrt3A = math.sqrt %broadcast_in_dim3A : vector<1024x1xf32>
    %add3A = arith.constant 9.99999993E-9 : f32
    %add3A_12 = vector.broadcast %add3A : f32 to vector<1024x1xf32>
    %add3A_13 = arith.addf %sqrt3A, %add3A_12 : vector<1024x1xf32>
    %div3A = vector.broadcast %add3A_13 : vector<1024x1xf32> to vector<1024x128xf32>
    %div3A_14 = arith.divf %mul3A_7, %div3A : vector<1024x128xf32>
    %swap3A_15 = arith.constant 0 : index
    %swap3A_16 = arith.constant 0 : index
    %swap3A_17 = vector.load %arg4[%swap3A_15, %swap3A_16] : memref<1024x128xf32, #tpu.memory_space<vmem>>, vector<1024x128xf32>
    tpu.vector_store %arg4[%swap3A_15, %swap3A_16], %div3A_14 {strides = array<i32>} : memref<1024x128xf32, #tpu.memory_space<vmem>>, vector<1024x128xf32>,
    return
  }
  func.func @transform_0(%arg0: i32) -> (i32, i32) {
    %c0_i32 = arith.constant 0 : i32
    %c0_i32_0 = arith.constant 0 : i32
    return %arg0, %c0_i32 : i32, i32
  }
  func.func @transform_1(%arg0: i32) -> (i32, i32) {
    %c0_i32 = arith.constant 0 : i32
    %c0_i32_0 = arith.constant 0 : i32
    return %arg0, %c0_i32 : i32, i32
  }
  func.func @transform_2(%arg0: i32) -> (i32, i32) {
    %c0_i32 = arith.constant 0 : i32
    %c0_i32_0 = arith.constant 0 : i32
    return %arg0, %c0_i32 : i32, i32
  }
  func.func @transform_3(%arg0: i32) -> (i32, i32) {
    %c0_i32 = arith.constant 0 : i32
    %c0_i32_0 = arith.constant 0 : i32
    return %arg0, %c0_i32 : i32, i32
  }
}

module attributes {stable_mosaic.version = 14 : i64} {
  func.func @_loss_body(%arg0: i32, %arg1: i32, %arg2: memref<1000x128xf32, #tpu.memory_space<vmem>>, %arg3: memref<1000x128xf32, #tpu.memory_space<vmem>>, %arg4: memref<1x1xf32, #tpu.memory_space<vmem>>, %arg5: memref<1000x1xf32, #tpu.memory_space<vmem>>, %arg6: memref<10x1000xf32, #tpu.memory_space<vmem>>, %arg7: memref<1xf32, #tpu.memory_space<smem>>) attributes {dimension_semantics = [#tpu.dimension_semantics<arbitrary>, #tpu.dimension_semantics<arbitrary>], iteration_bounds = array<i64: 10, 10>, scalar_prefetch = 0 : i64, scratch_operands = 3 : i64, tpu.core_type = #tpu.core_type<tc>, window_params = [{transform_indices = @transform_0, window_bounds = array<i64: 1000, 128>}, {transform_indices = @transform_1, window_bounds = array<i64: 1000, 128>}, {pipeline_mode = #tpu.pipeline_mode<synchronous>, transform_indices = @transform_2, window_bounds = array<i64: 1, 1>}]} {
    %get3A = arith.constant 0 : index
    %get3A_0 = arith.constant 0 : index
    %get3A_1 = vector.load %arg2[%get3A, %get3A_0] : memref<1000x128xf32, #tpu.memory_space<vmem>>, vector<1000x128xf32>
    %get3A_2 = arith.constant 0 : index
    %get3A_3 = arith.constant 0 : index
    %get3A_4 = vector.load %arg3[%get3A_2, %get3A_3] : memref<1000x128xf32, #tpu.memory_space<vmem>>, vector<1000x128xf32>
    %dot_general3A = arith.constant dense<0.000000e+00> : vector<1000x1000xf32>
    %dot_general3A_5 = tpu.matmul %get3A_1, %get3A_4, %dot_general3A {dimension_numbers = #tpu.dot_dimension_numbers<[1], [1], [0], [0], [0, 0, 1, 0], [], []>, transpose_lhs_hint = false} : vector<1000x128xf32>, vector<1000x128xf32>, vector<1000x1000xf32> -> vector<1000x1000xf32>
    %mul3A = arith.constant 2.000000e+00 : f32
    %mul3A_6 = vector.broadcast %mul3A : f32 to vector<1000x1000xf32>
    %mul3A_7 = arith.mulf %dot_general3A_5, %mul3A_6 : vector<1000x1000xf32>
    %exp3A = math.exp %mul3A_7 : vector<1000x1000xf32>
    %reduce_sum3A = arith.constant dense<0.000000e+00> : vector<1000xf32>
    %reduce_sum3A_8 = vector.multi_reduction <add>, %exp3A, %reduce_sum3A [1] : vector<1000x1000xf32> to vector<1000xf32>
    %broadcast_in_dim3A = vector.shape_cast %reduce_sum3A_8 : vector<1000xf32> to vector<1000x1xf32>
    %reduce_sum3A_9 = arith.constant dense<0.000000e+00> : vector<1000xf32>
    %reduce_sum3A_10 = vector.multi_reduction <add>, %exp3A, %reduce_sum3A_9 [0] : vector<1000x1000xf32> to vector<1000xf32>
    %broadcast_in_dim3A_11 = vector.shape_cast %reduce_sum3A_10 : vector<1000xf32> to vector<1x1000xf32>
    %eq3A = arith.constant 0 : i32
    %eq3A_12 = arith.cmpi eq, %arg0, %eq3A : i32
    %eq3A_13 = arith.constant 0 : i32
    %eq3A_14 = arith.cmpi eq, %arg1, %eq3A_13 : i32
    %and3A = arith.andi %eq3A_12, %eq3A_14 : i1
    %convert_element_type3A = arith.extui %and3A : i1 to i32
    %cond3A = arith.constant 0 : i32
    %cond3A_15 = arith.cmpi ne, %convert_element_type3A, %cond3A : i32
    scf.if %cond3A_15 {
      %swap3A = arith.constant 0.000000e+00 : f32
      %swap3A_52 = arith.constant 0 : index
      %swap3A_53 = memref.load %arg7[%swap3A_52] : memref<1xf32, #tpu.memory_space<smem>>
      memref.store %swap3A, %arg7[%swap3A_52] : memref<1xf32, #tpu.memory_space<smem>>
    } else {
    }
    %eq3A_16 = arith.constant 0 : i32
    %eq3A_17 = arith.cmpi eq, %arg1, %eq3A_16 : i32
    %convert_element_type3A_18 = arith.extui %eq3A_17 : i1 to i32
    %cond3A_19 = arith.constant 0 : i32
    %cond3A_20 = arith.cmpi ne, %convert_element_type3A_18, %cond3A_19 : i32
    scf.if %cond3A_20 {
      %swap3A = arith.constant 0 : index
      %swap3A_52 = arith.constant 0 : index
      %swap3A_53 = vector.load %arg5[%swap3A, %swap3A_52] : memref<1000x1xf32, #tpu.memory_space<vmem>>, vector<1000x1xf32>
      tpu.vector_store %arg5[%swap3A, %swap3A_52], %broadcast_in_dim3A {strides = array<i32>} : memref<1000x1xf32, #tpu.memory_space<vmem>>, vector<1000x1xf32>,
    } else {
    }
    %ne3A = arith.constant 0 : i32
    %ne3A_21 = arith.cmpi ne, %arg1, %ne3A : i32
    %convert_element_type3A_22 = arith.extui %ne3A_21 : i1 to i32
    %cond3A_23 = arith.constant 0 : i32
    %cond3A_24 = arith.cmpi ne, %convert_element_type3A_22, %cond3A_23 : i32
    scf.if %cond3A_24 {
      %get3A_52 = arith.constant 0 : index
      %get3A_53 = arith.constant 0 : index
      %get3A_54 = vector.load %arg5[%get3A_52, %get3A_53] : memref<1000x1xf32, #tpu.memory_space<vmem>>, vector<1000x1xf32>
      %add3A = arith.addf %get3A_54, %broadcast_in_dim3A : vector<1000x1xf32>
      %swap3A = arith.constant 0 : index
      %swap3A_55 = arith.constant 0 : index
      %swap3A_56 = vector.load %arg5[%swap3A, %swap3A_55] : memref<1000x1xf32, #tpu.memory_space<vmem>>, vector<1000x1xf32>
      tpu.vector_store %arg5[%swap3A, %swap3A_55], %add3A {strides = array<i32>} : memref<1000x1xf32, #tpu.memory_space<vmem>>, vector<1000x1xf32>,
    } else {
    }
    %eq3A_25 = arith.constant 0 : i32
    %eq3A_26 = arith.cmpi eq, %arg0, %eq3A_25 : i32
    %convert_element_type3A_27 = arith.extui %eq3A_26 : i1 to i32
    %cond3A_28 = arith.constant 0 : i32
    %cond3A_29 = arith.cmpi ne, %convert_element_type3A_27, %cond3A_28 : i32
    scf.if %cond3A_29 {
      %swap3A = arith.index_cast %arg1 : i32 to index
      %swap3A_52 = arith.constant 0 : index
      %swap3A_53 = vector.load %arg6[%swap3A, %swap3A_52] : memref<10x1000xf32, #tpu.memory_space<vmem>>, vector<1x1000xf32>
      tpu.vector_store %arg6[%swap3A, %swap3A_52], %broadcast_in_dim3A_11 {strides = array<i32>} : memref<10x1000xf32, #tpu.memory_space<vmem>>, vector<1x1000xf32>,
    } else {
    }
    %ne3A_30 = arith.constant 0 : i32
    %ne3A_31 = arith.cmpi ne, %arg0, %ne3A_30 : i32
    %convert_element_type3A_32 = arith.extui %ne3A_31 : i1 to i32
    %cond3A_33 = arith.constant 0 : i32
    %cond3A_34 = arith.cmpi ne, %convert_element_type3A_32, %cond3A_33 : i32
    scf.if %cond3A_34 {
      %get3A_52 = arith.index_cast %arg1 : i32 to index
      %get3A_53 = arith.constant 0 : index
      %get3A_54 = vector.load %arg6[%get3A_52, %get3A_53] : memref<10x1000xf32, #tpu.memory_space<vmem>>, vector<1x1000xf32>
      %add3A = arith.addf %get3A_54, %broadcast_in_dim3A_11 : vector<1x1000xf32>
      %swap3A = arith.index_cast %arg1 : i32 to index
      %swap3A_55 = arith.constant 0 : index
      %swap3A_56 = vector.load %arg6[%swap3A, %swap3A_55] : memref<10x1000xf32, #tpu.memory_space<vmem>>, vector<1x1000xf32>
      tpu.vector_store %arg6[%swap3A, %swap3A_55], %add3A {strides = array<i32>} : memref<10x1000xf32, #tpu.memory_space<vmem>>, vector<1x1000xf32>,
    } else {
    }
    %eq3A_35 = arith.cmpi eq, %arg0, %arg1 : i32
    %convert_element_type3A_36 = arith.extui %eq3A_35 : i1 to i32
    %cond3A_37 = arith.constant 0 : i32
    %cond3A_38 = arith.cmpi ne, %convert_element_type3A_36, %cond3A_37 : i32
    scf.if %cond3A_38 {
      %iota3A = tpu.iota {dimensions = array<i32: 0>} : vector<1000x1000xi32>
      %iota3A_52 = tpu.iota {dimensions = array<i32: 1>} : vector<1000x1000xi32>
      %get3A_53 = arith.constant 0 : index
      %get3A_54 = memref.load %arg7[%get3A_53] : memref<1xf32, #tpu.memory_space<smem>>
      %eq3A_55 = arith.cmpi eq, %iota3A, %iota3A_52 : vector<1000x1000xi32>
      %jit3A = arith.constant 0.000000e+00 : f32
      %broadcast_in_dim3A_56 = vector.broadcast %jit3A : f32 to vector<1000x1000xf32>
      %select_n3A = arith.select %eq3A_55, %mul3A_7, %broadcast_in_dim3A_56 : vector<1000x1000xi1>, vector<1000x1000xf32>
      %reduce_sum3A_57 = vector.shape_cast %select_n3A : vector<1000x1000xf32> to vector<1x1000x1000xf32>
      %reduce_sum3A_58 = arith.constant dense<0.000000e+00> : vector<1xf32>
      %reduce_sum3A_59 = vector.multi_reduction <add>, %reduce_sum3A_57, %reduce_sum3A_58 [1, 2] : vector<1x1000x1000xf32> to vector<1xf32>
      %reduce_sum3A_60 = vector.shape_cast %reduce_sum3A_59 : vector<1xf32> to vector<1x1x1xf32>
      %reduce_sum3A_61 = vector.extract %reduce_sum3A_60[0, 0, 0] : f32 from vector<1x1x1xf32>
      %mul3A_62 = arith.constant 2.000000e+00 : f32
      %mul3A_63 = arith.mulf %mul3A_62, %reduce_sum3A_61 : f32
      %add3A = arith.addf %get3A_54, %mul3A_63 : f32
      %swap3A = arith.constant 0 : index
      %swap3A_64 = memref.load %arg7[%swap3A] : memref<1xf32, #tpu.memory_space<smem>>
      memref.store %add3A, %arg7[%swap3A] : memref<1xf32, #tpu.memory_space<smem>>
    } else {
    }
    %eq3A_39 = arith.constant 9 : i32
    %eq3A_40 = arith.cmpi eq, %arg1, %eq3A_39 : i32
    %convert_element_type3A_41 = arith.extui %eq3A_40 : i1 to i32
    %cond3A_42 = arith.constant 0 : i32
    %cond3A_43 = arith.cmpi ne, %convert_element_type3A_41, %cond3A_42 : i32
    scf.if %cond3A_43 {
      %get3A_52 = arith.constant 0 : index
      %get3A_53 = memref.load %arg7[%get3A_52] : memref<1xf32, #tpu.memory_space<smem>>
      %get3A_54 = arith.constant 0 : index
      %get3A_55 = arith.constant 0 : index
      %get3A_56 = vector.load %arg5[%get3A_54, %get3A_55] : memref<1000x1xf32, #tpu.memory_space<vmem>>, vector<1000x1xf32>
      %log3A = math.log %get3A_56 : vector<1000x1xf32>
      %reduce_sum3A_57 = vector.shape_cast %log3A : vector<1000x1xf32> to vector<1x1000x1xf32>
      %reduce_sum3A_58 = arith.constant dense<0.000000e+00> : vector<1xf32>
      %reduce_sum3A_59 = vector.multi_reduction <add>, %reduce_sum3A_57, %reduce_sum3A_58 [1, 2] : vector<1x1000x1xf32> to vector<1xf32>
      %reduce_sum3A_60 = vector.shape_cast %reduce_sum3A_59 : vector<1xf32> to vector<1x1x1xf32>
      %reduce_sum3A_61 = vector.extract %reduce_sum3A_60[0, 0, 0] : f32 from vector<1x1x1xf32>
      %neg3A = arith.constant 0.000000e+00 : f32
      %neg3A_62 = arith.subf %neg3A, %reduce_sum3A_61 : f32
      %add3A = arith.addf %get3A_53, %neg3A_62 : f32
      %swap3A = arith.constant 0 : index
      %swap3A_63 = memref.load %arg7[%swap3A] : memref<1xf32, #tpu.memory_space<smem>>
      memref.store %add3A, %arg7[%swap3A] : memref<1xf32, #tpu.memory_space<smem>>
    } else {
    }
    %eq3A_44 = arith.constant 9 : i32
    %eq3A_45 = arith.cmpi eq, %arg0, %eq3A_44 : i32
    %eq3A_46 = arith.constant 9 : i32
    %eq3A_47 = arith.cmpi eq, %arg1, %eq3A_46 : i32
    %and3A_48 = arith.andi %eq3A_45, %eq3A_47 : i1
    %convert_element_type3A_49 = arith.extui %and3A_48 : i1 to i32
    %cond3A_50 = arith.constant 0 : i32
    %cond3A_51 = arith.cmpi ne, %convert_element_type3A_49, %cond3A_50 : i32
    scf.if %cond3A_51 {
      %get3A_52 = arith.constant 0 : index
      %get3A_53 = memref.load %arg7[%get3A_52] : memref<1xf32, #tpu.memory_space<smem>>
      %get3A_54 = arith.constant 0 : index
      %get3A_55 = arith.constant 0 : index
      %get3A_56 = vector.load %arg6[%get3A_54, %get3A_55] : memref<10x1000xf32, #tpu.memory_space<vmem>>, vector<10x1000xf32>
      %log3A = math.log %get3A_56 : vector<10x1000xf32>
      %reduce_sum3A_57 = vector.shape_cast %log3A : vector<10x1000xf32> to vector<1x10x1000xf32>
      %reduce_sum3A_58 = arith.constant dense<0.000000e+00> : vector<1xf32>
      %reduce_sum3A_59 = vector.multi_reduction <add>, %reduce_sum3A_57, %reduce_sum3A_58 [1, 2] : vector<1x10x1000xf32> to vector<1xf32>
      %reduce_sum3A_60 = vector.shape_cast %reduce_sum3A_59 : vector<1xf32> to vector<1x1x1xf32>
      %reduce_sum3A_61 = vector.extract %reduce_sum3A_60[0, 0, 0] : f32 from vector<1x1x1xf32>
      %sub3A = arith.subf %get3A_53, %reduce_sum3A_61 : f32
      %mul3A_62 = arith.constant -5.000000e-01 : f32
      %mul3A_63 = arith.mulf %mul3A_62, %sub3A : f32
      %div3A = arith.constant 1.000000e+04 : f32
      %div3A_64 = arith.divf %mul3A_63, %div3A : f32
      %reshape3A = vector.broadcast %div3A_64 : f32 to vector<1x1xf32>
      %swap3A = arith.constant 0 : index
      %swap3A_65 = arith.constant 0 : index
      %swap3A_66 = vector.load %arg4[%swap3A, %swap3A_65] : memref<1x1xf32, #tpu.memory_space<vmem>>, vector<1x1xf32>
      tpu.vector_store %arg4[%swap3A, %swap3A_65], %reshape3A {strides = array<i32>} : memref<1x1xf32, #tpu.memory_space<vmem>>, vector<1x1xf32>,
    } else {
    }
    return
  }
  func.func @transform_0(%arg0: i32, %arg1: i32) -> (i32, i32) {
    %c0_i32 = arith.constant 0 : i32
    %c0_i32_0 = arith.constant 0 : i32
    return %arg0, %c0_i32 : i32, i32
  }
  func.func @transform_1(%arg0: i32, %arg1: i32) -> (i32, i32) {
    %c0_i32 = arith.constant 0 : i32
    %c0_i32_0 = arith.constant 0 : i32
    return %arg1, %c0_i32 : i32, i32
  }
  func.func @transform_2(%arg0: i32, %arg1: i32) -> (i32, i32) {
    %c0_i32 = arith.constant 0 : i32
    %c0_i32_0 = arith.constant 0 : i32
    %c0_i32_1 = arith.constant 0 : i32
    return %c0_i32, %c0_i32_0 : i32, i32
  }
}

</mosaic_0001>

<sc_bundles>
// kernel: kernel.12.cloned.1.call-start
scs
__scs_entry_jumppad:
0x0: {  	(pc) =	sbr.rel $0x88, $3  }
0x1: {  	(tag) =	ssettag $0x0;
	lr =	simm.s32 $0x1  }
0x2: {  	[smem:$0x3F99] =	sst lr;
	_ =	strace $0xD0000000  }
0x3: {  	_ = 	snop  }
0x4: {  	_ = 	snop  }
0x5: {  	_ = 	snop  }
0x6: {  	_ = 	snop  }
0x7: {  	_ = 	snop  }
__scs_overlays_trampoline_lowered:
0x8: {  	[smem:$0x3FA8] =	sst s0  }
0x9: {  	[smem:$0x3FA9] =	sst s1  }
0xa: {  	[smem:$0x3FAA] =	sst s2  }
0xb: {  	[smem:$0x3FAB] =	sst s3  }
0xc: {  	[smem:$0x3FAC] =	sst s4  }
0xd: {  	[smem:$0x3FAD] =	sst s5  }
0xe: {  	[smem:$0x3FAE] =	sst s6  }
0xf: {  	[smem:$0x3FAF] =	sst s7  }
0x10: {  	[smem:$0x3FB0] =	sst s8  }
0x11: {  	[smem:$0x3FB1] =	sst s9;
	s0 =	simm.s32 @!p0 $0x0  }
0x12: {  	s1 =	sld [smem:$0x3F97];
	s0 =	simm.s32 @p0 $0x1  }
0x13: {  	[smem:$0x3FB2] =	sst s0;
	s0 =	simm.s32 @!p1 $0x0  }
0x14: {  	s2 =	sld [smem:$0x3F96];
	s0 =	simm.s32 @p1 $0x1  }
0x15: {  	[smem:$0x3FB3] =	sst s0;
	s0 =	simm.s32 @!p2 $0x0  }
0x16: {  	s3 =	sld [smem:$0x3FDB];
	s0 =	simm.s32 @p2 $0x1  }
0x17: {  	s4 =	simm.s32 $0x1BF5;
	[smem:$0x3FB5] =	sst s0  }
0x18: {  	s0 =	sld [smem:$0x3F98];
	_ =	swait.ge [sflag:s4], $0x0  }
0x19: {  	s7 =	sld [smem:$0x3F99]  }
0x1a: {  	s8 =	sadd.s32 $0xFFFFE003, lr  }
0x1b: {  	s9 =	sadd.s32 $0xFFFFFEF7, lr;
	s5 =	simm.s32 $0xFFFFFFFF;
	p2 =	slt.u32 s8, $0xFFFFF086  }
0x1c: {  	p1 =	slt.u32 s9, $0xF7A;
	s5 =	simm.s32 @!p2 $0x0  }
0x1d: {  	s5 =	simm.s32 @p1 $0x1;
	p0 =	seq.s32 s7, s2  }
0x1e: {  	s7 =	smul.u32 @!p0 $0xF7A, s2;
	p2 =	seq.s32 @!p0 s5, $0x0  }
0x1f: {  	s9 =	smul.u32 $0xF7A, s1;
	s8 =	simm.s32 @!p0 $0x1BF5;
	p2 =	por !p2, p0  }
0x20: {  	[sflag:s8] =	ssyncset.s32 @!p0 $0xFFFFF086;
	s6 =	sadd.s32 @!p0 s3, s7;
	s7 =	simm.s32 @!p0 $0x108  }
0x21: {  	s3 =	sadd.s32 s3, s9;
	s6 =	sadd.s32 @!p0 $0x88, s6;
	s7 =	simm.s32 @p2 $0x1082  }
0x22: {  	[simem:s7], [sflag:s8] =	dma.local @!p0 [hbm:s6], $0xF7A  }
0x23: {  	s9 =	sor.u32 $0xD0000000, s2;
	s6 =	simm.s32 $0x108;
	_ =	swait.ge @!p0 [sflag:s8], $0x0  }
0x24: {  	s3 =	sadd.s32 $0x88, s3;
	s6 =	simm.s32 @!p1 $0x1082;
	[sflag:s4] =	ssyncset.s32 $0xFFFFF086  }
0x25: {  	[simem:s6], [sflag:s4] =	dma.local [hbm:s3], $0xF7A  }
0x26: {  	[smem:$0x3F99] =	sst s1;
	(tag) =	ssettag s2;
	_ =	strace s9  }
0x27: {  	s1 =	sld [smem:$0x3FA9]  }
0x28: {  	s2 =	sld [smem:$0x3FAA]  }
0x29: {  	s4 =	sld [smem:$0x3FAC]  }
0x2a: {  	p0 =	seq.s32 s5, $0x0;
	s5 =	sld [smem:$0x3FAD]  }
0x2b: {  	s6 =	sld [smem:$0x3FAE]  }
0x2c: {  	s7 =	sld [smem:$0x3FAF]  }
0x2d: {  	s3 =	simm.s32 $0x108;
	s8 =	sld [smem:$0x3FB0]  }
0x2e: {  	s3 =	simm.s32 @!p0 $0x1082;
	s9 =	sld [smem:$0x3FB1]  }
0x2f: {  	lr =	sadd.s32 s0, s3;
	s0 =	sld [smem:$0x3FA8]  }
0x30: {  	s3 =	sld [smem:$0x3FAB]  }
0x31: {  	[smem:$0x3FB4] =	sst s10  }
0x32: {  	s10 =	sld [smem:$0x3FB2];
	_ =	sdelay $0x3  }
0x33: {  	p0 =	seq.s32 s10, $0x1;
	s10 =	sld [smem:$0x3FB4];
	_ =	sdelay $0x3  }
0x34: {  	[smem:$0x3FB4] =	sst s10  }
0x35: {  	s10 =	sld [smem:$0x3FB3];
	_ =	sdelay $0x3  }
0x36: {  	p1 =	seq.s32 s10, $0x1;
	s10 =	sld [smem:$0x3FB4];
	_ =	sdelay $0x3  }
0x37: {  	[smem:$0x3FB4] =	sst s10  }
0x38: {  	s10 =	sld [smem:$0x3FB5]  }
0x39: {  	_ = 	snop;
	(pc) =	sbr.ind lr, $3  }
0x3a: {  	_ = 	snop  }
0x3b: {  	_ = 	snop  }
0x3c: {  	p2 =	seq.s32 s10, $0x1;
	s10 =	sld [smem:$0x3FB4]  }
0x3d: {  	_ =	shalt  }
0x3e: {  	_ =	shalt  }
0x3f: {  	_ =	shalt  }
0x40: {  	_ =	shalt  }
0x41: {  	_ =	shalt  }
0x42: {  	_ =	shalt  }
0x43: {  	_ =	shalt  }
0x44: {  	_ =	shalt  }
0x45: {  	_ =	shalt  }
0x46: {  	_ =	shalt  }
0x47: {  	_ =	shalt  }
0x48: {  	_ =	shalt  }
0x49: {  	_ =	shalt  }
0x4a: {  	_ =	shalt  }
0x4b: {  	_ =	shalt  }
0x4c: {  	_ =	shalt  }
0x4d: {  	_ =	shalt  }
0x4e: {  	_ =	shalt  }
0x4f: {  	_ =	shalt  }
0x50: {  	_ =	shalt  }
0x51: {  	_ =	shalt  }
0x52: {  	_ =	shalt  }
0x53: {  	_ =	shalt  }
0x54: {  	_ =	shalt  }
0x55: {  	_ =	shalt  }
0x56: {  	_ =	shalt  }
0x57: {  	_ =	shalt  }
0x58: {  	_ =	shalt  }
0x59: {  	_ =	shalt  }
0x5a: {  	_ =	shalt  }
0x5b: {  	_ =	shalt  }
0x5c: {  	_ =	shalt  }
0x5d: {  	_ =	shalt  }
0x5e: {  	_ =	shalt  }
0x5f: {  	_ =	shalt  }
0x60: {  	_ =	shalt  }
0x61: {  	_ =	shalt  }
0x62: {  	_ =	shalt  }
0x63: {  	_ =	shalt  }
0x64: {  	_ =	shalt  }
0x65: {  	_ =	shalt  }
0x66: {  	_ =	shalt  }
0x67: {  	_ =	shalt  }
0x68: {  	_ =	shalt  }
0x69: {  	_ =	shalt  }
0x6a: {  	_ =	shalt  }
0x6b: {  	_ =	shalt  }
0x6c: {  	_ =	shalt  }
0x6d: {  	_ =	shalt  }
0x6e: {  	_ =	shalt  }
0x6f: {  	_ =	shalt  }
0x70: {  	_ =	shalt  }
0x71: {  	_ =	shalt  }
0x72: {  	_ =	shalt  }
0x73: {  	_ =	shalt  }
0x74: {  	_ =	shalt  }
0x75: {  	_ =	shalt  }
0x76: {  	_ =	shalt  }
0x77: {  	_ =	shalt  }
0x78: {  	_ =	shalt  }
0x79: {  	_ =	shalt  }
0x7a: {  	_ =	shalt  }
0x7b: {  	_ =	shalt  }
0x7c: {  	_ =	shalt  }
0x7d: {  	_ =	shalt  }
0x7e: {  	_ =	shalt  }
0x7f: {  	_ =	shalt  }
0x80: {  	_ =	shalt  }
0x81: {  	_ =	shalt  }
0x82: {  	_ =	shalt  }
0x83: {  	_ =	shalt  }
0x84: {  	_ =	shalt  }
0x85: {  	_ =	shalt  }
0x86: {  	_ =	shalt  }
0x87: {  	_ =	shalt  }
.Lfunc_end0:
.L_simem_size_0:
called_computation.1_lowered:
.L_overlay_start_0:
0x88: {  	s2 =	sld [smem:$0x3FD9]  }
0x89: {  	s3 =	sld [smem:$0x3FFE];
	_ =	sdelay $0x1  }
0x8a: {  	s1 =	srdreg.scid  }
0x8b: {  	s0 =	sand.u32 $0x1, s1  }
0x8c: {  	s14 =	sshll.u32 s0, $0xA;
	s2 =	sadd.s32 s3, s2  }
0x8d: {  	s2 =	sadd.s32 s2, s14  }
0x8e: {  	[smem:$0x3FC0] =	sst s2  }
0x8f: {  	_ = 	snop  }
0x90: {  	s2 =	sld [smem:$0x3FD0];
	_ =	sdelay $0x2  }
0x91: {  	s15 =	simm.s32 $0xA;
	s4 =	simm.s32 $0x10  }
0x92: {  	[smem:s4], [sflag:s15] =	dma.local [hbm:s2], $0x1  }
0x93: {  	_ =	swait.eq [sflag:s15], $0x1  }
0x94: {  	[sflag:s15] =	ssyncset.done $0x0  }
0x95: {  	[sflag:s15] =	ssyncadd.s32 $0xFFFFFFFF  }
0x96: {  	s16 =	sld [smem:$0x10];
	(tm) =	ssettm $0x1  }
0x97: {  	s17 =	sld [smem:$0x3FFB];
	_ =	sdelay $0x3  }
0x98: {  	_ =	strace s17  }
0x99: {  	s3 =	sld [smem:$0x3FFC];
	_ =	sdelay $0x3  }
0x9a: {  	_ =	strace s3  }
0x9b: {  	s3 =	sld [smem:$0x3FFD];
	_ =	sdelay $0x3  }
0x9c: {  	_ =	strace s3  }
0x9d: {  	_ =	strace $0x8FFFFFFF  }
0x9e: {  	s18 =	sld [smem:$0x3FDB];
	_ =	sdelay $0x1  }
0x9f: {  	s19 =	simm.s32 $_scs_section_size  }
0xa0: {  	s5 =	simm.s32 $_size__tile_overlayer_lowered;
	s6 =	simm.s32 $_tile_overlayer_lowered  }
0xa1: {  	s22 =	simm.s32 $0x1BFF;
	s21 =	sshll.u32 s6, $0x1;
	s3 =	sadd.s32 s19, s18  }
0xa2: {  	s7 =	simm.s32 $0x0;
	s20 =	sshll.u32 s5, $0x1;
	s5 =	sadd.s32 s21, s3  }
0xa3: {  	[timem:s7], [sflag:s22] =	dma.local [hbm:s5], s20  }
0xa4: {  	_ =	swait.ge [sflag:s22], s20  }
0xa5: {  	s4 =	ssub.s32 $0x0, s20;
	[sflag:s22] =	ssyncset.done $0x0  }
0xa6: {  	[sflag:s22] =	ssyncadd.s32 s4;
	_ =	sdelay $0x1  }
0xa7: {  	s23 =	simm.s32 $0x1B8B  }
0xa8: {  	_ =	swait.ge [sflag:s23], $0x1  }
0xa9: {  	[sflag:s23] =	ssyncset.done $0x0  }
0xaa: {  	s25 =	simm.s32 $0x1B8E;
	s24 =	sld [smem:$0x3FFE];
	[sflag:s23] =	ssyncadd.s32 $0xFFFFFFFF  }
0xab: {  	s26 =	simm.s32 $execute0_lowered;
	[smem:$0x3FD2] =	sst s25  }
0xac: {  	s5 =	sshll.u32 s26, $0x1;
	_ =	strace $0x80000049;
	[dreg:$0x1] =	wrdreg $0xFFFFFFFF  }
0xad: {  	s28 =	simm.s32 $_size_execute0_lowered;
	s3 =	sadd.s32 s3, s5;
	[dreg:$0x0] =	wrdreg $0x0  }
0xae: {  	s5 =	sshll.u32 s28, $0x1;
	[dreg:$0x2] =	wrdreg s3  }
0xaf: {  	[dreg:$0x3] =	wrdreg s5  }
0xb0: {  	[dreg:$0x4] =	wrdreg $0xC0  }
0xb1: {  	_ =	task [dreg:s7], $0x5FFFF  }
0xb2: {  	[dreg:$0x1] =	wrdreg $0xFFFFFFFF  }
0xb3: {  	[dreg:$0x0] =	wrdreg $0x60  }
0xb4: {  	[dreg:$0x2] =	wrdreg s24  }
0xb5: {  	[dreg:$0x3] =	wrdreg s16  }
0xb6: {  	[dreg:$0x4] =	wrdreg $0x29000  }
0xb7: {  	[dreg:$0x5] =	wrdreg $0x9  }
0xb8: {  	_ =	task.clear_ibuf [dreg:s7], $0x6FFFF;
	_ =	strace $0x90000049  }
0xb9: {  	s29 =	simm.s32 $0x9;
	_ =	strace $0x8000004B  }
0xba: {  	_ =	swait.ge [sflag:s29], $0x1  }
0xbb: {  	[sflag:s29] =	ssyncadd.s32 $0xFFFFFFFF  }
0xbc: {  	_ =	strace $0x9000004B  }
0xbd: {  	_ =	sfence  }
0xbe: {  	s30 =	sld [smem:$0x0];
	_ =	sdelay $0x2  }
0xbf: {  	s31 =	sshll.u32 s1, $0xD;
	s1 =	sshrl.u32 s1, $0x2  }
0xc0: {  	s3 =	sand.u32 $0x4000, s31;
	s1 =	sadd.s32 s1, s30  }
0xc1: {  	s0 =	sor.u32 s3, s0;
	s1 =	sshll.u32 s1, $0x11  }
0xc2: {  	s0 =	sor.u32 s1, s0  }
0xc3: {  	s0 =	sadd.s32 $0x8F2B, s0  }
0xc4: {  	[sflag:s0] =	ssyncadd.remote.s32 $0x1  }
0xc5: {  	_ =	sfence.sel $0xFFFF  }
0xc6: {  	[dreg:$0x0] =	wrdreg $0xFFFFFFFF;
	(pc) =	sbr.abs _section_cstart, $3  }
0xc7: {  	[dreg:$0x1] =	wrdreg $0xFFFFFFFF  }
0xc8: {  	_ =	task.clear_ibuf [dreg:s7], $0x2FFFF;
	_ =	strace $0x9FFFFFFF  }
0xc9: {  	(tm) =	ssettm $0x7FFFFFFF  }
tec
execute0_lowered:
.L_overlay_start_1:
0x0: {  	(tag) =	ssettag $0x1  }
0x1: {  	s5 =	rddreg [dreg:$0x0]  }
0x2: {  	s0 =	srdreg.scid;
	s9 =	rddreg [dreg:$0x1]  }
0x3: {  	s2 =	rddreg [dreg:$0x2];
	s6 =	sand.u32 $0x1, s0  }
0x4: {  	s0 =	stileid.u32;
	s4 =	smul.u32 $0x4E200, s6  }
0x5: {  	s1 =	rddreg [dreg:$0x3];
	s3 =	simm.s32 $0x0;
	s7 =	smul.u32 $0x4E20, s0  }
0x6: {  	s14 =	simm.s32 $0x50;
	s16 =	simm.s32 $0x1;
	s29 =	smul.u32 $0x280, s0  }
0x7: {  	s17 =	simm.s32 $0x0;
	[smem:$0x7FF] =	sst s3;
	s15 =	smul.u32 $0x2800, s6  }
0x8: {  	_ =	strace $0x8000004A;
	s8 =	smul.u32 $0x2800, s0;
	s6 =	ssub.s32 $0x2, s6  }
0x9: {  	s12 =	smul.u32 $0x50000, s0;
	s31 =	sshll.u32 s0, $0x6;
	s13 =	sshrl.u32 s6, $0x1  }
0xa: {  	s4 =	sadd.s32 s7, s4;
	s7 =	sadd.s32 s29, s15;
	s8 =	sadd.s32 s8, s5  }
0xb: {  	s13 =	ssub.s32 s6, s13;
	s30 =	sshrl.u32 s12, $0x2;
	s6 =	sor.u32 $0x1C02, s31  }
0xc: {  	v0 =	vmov s15;
	s15 =	simm.s32 $0x100;
	s10 =	sshrl.u32 s4, $0x3;
	s4 =	sadd.s32 $0x8E000, s5  }
0xd: {  	s7 =	sshll.u32 s7, $0x4;
	s12 =	sadd.s32 s30, s2;
	s11 =	sadd.s32 s10, s5  }
0xe: {  	s7 =	sadd.s32 s7, s5;
	s5 =	sadd.s32 $0x16000, s8;
	s8 =	smax.u32 s13, $0x1  }
0xf: {  	s9 =	sadd.s32 s10, s9;
	s13 =	simm.s32 $0x80;
	s7 =	sadd.s32 $0xDE000, s7  }
0x10: {  	s10 =	sadd.s32 $0x2000, s11;
	s11 =	sshrl.u32 s12, $0x3;
	s12 =	simm.s32 $0x2  }
.LBB2_1:
0x11: {  	[spmem:s11], [sflag:s6] =	dma.local [hbm:s5], $0x2800  }
0x12: {  	_ =	swait.ge [sflag:s12], $0x2800  }
0x13: {  	[sflag:s12] =	ssyncset.done $0x0  }
0x14: {  	[sflag:s12] =	ssyncadd.s32 $0xFFFFD800  }
0x15: {  	s18 =	sadd.s32 $0x0, s10;
	[bflag:$0x0] =	sbarrier.arrive $0xFFFF  }
0x16: {  	[tilespmem:s3], [sflag:$0x2] =	stream.linear.gather [hbm4b:s18+s3], $0x50, $0x38;
	[tilespmem:$0x16900] =	vst v63  }
0x17: {  	_ =	swait.ge [sflag:s12], $0x50  }
0x18: {  	[sflag:s12] =	ssyncset.done $0x0  }
0x19: {  	s31 =	sadd.s32 $0x0, s9;
	[sflag:s12] =	ssyncadd.s32 $0xFFFFFFB0  }
0x1a: {  	[tilespmem:s13], [sflag:$0x2] =	stream.linear.gather [hbm4b:s31+s3], $0x50, $0x38;
	[tilespmem:$0x16900] =	vst v63  }
0x1b: {  	_ =	swait.ge [sflag:s12], $0x50  }
0x1c: {  	[sflag:s12] =	ssyncset.done $0x0  }
0x1d: {  	[sflag:s12] =	ssyncadd.s32 $0xFFFFFFB0  }
0x1e: {  	v1 =	vld [tilespmem:$0x40]  }
0x1f: {  	v2 =	vld [tilespmem:$0x20]  }
0x20: {  	v3 =	vld [tilespmem:$0x30]  }
0x21: {  	v4 =	vld [tilespmem:$0x10]  }
0x22: {  	v5 =	vld [tilespmem:$0x0]  }
0x23: {  	v1 =	vadd.s32 v0, v1  }
0x24: {  	v2 =	vadd.s32 v0, v2;
	[tilespmem:$0x40] =	vst v1  }
0x25: {  	[tilespmem:$0x20] =	vst v2;
	v1 =	vadd.s32 v0, v3  }
0x26: {  	v2 =	vadd.s32 v0, v4;
	[tilespmem:$0x30] =	vst v1  }
0x27: {  	v1 =	vadd.s32 v0, v5;
	[tilespmem:$0x10] =	vst v2  }
0x28: {  	[tilespmem:$0x0] =	vst v1  }
0x29: {  	[tilespmem:s15], [sflag:$0x1] =	stream.indirect.gather [hbm4b:s4+s14], $0x80, s3, s14, $0xb8;
	[tilespmem:$0x16900] =	vst v63  }
0x2a: {  	_ =	swait.ge [sflag:s16], $0x2800  }
0x2b: {  	s18 =	simm.s32 $0xA;
	[sflag:s16] =	ssyncset.done $0x0  }
.LBB2_2:
0x2c: {  	p0 =	sne.s32 s18, $0x9BA  }
0x2d: {  	[sflag:s16] =	ssyncadd.s32 $0xFFFFD800;
	s19 =	smov.u32 s18;
	s18 =	sadd.s32 $0xA, s18  }
0x2e: {  	[spmem:s2] =	stream.indirect.scatter.add.f32 [tilespmem:s15], [sflag:$0x2], $0x80, s13, s14, $0xb8;
	[tilespmem:$0x16900] =	vst v63  }
0x2f: {  	_ =	swait.ge [sflag:s12], $0x2800  }
0x30: {  	[sflag:s12] =	ssyncset.done $0x0  }
0x31: {  	s20 =	sadd.s32 s19, s10;
	[sflag:s12] =	ssyncadd.s32 $0xFFFFD800  }
0x32: {  	[tilespmem:s3], [sflag:$0x2] =	stream.linear.gather [hbm4b:s20+s3], $0x50, $0x38;
	[tilespmem:$0x16900] =	vst v63  }
0x33: {  	_ =	swait.ge [sflag:s12], $0x50  }
0x34: {  	[sflag:s12] =	ssyncset.done $0x0  }
0x35: {  	s19 =	sadd.s32 s19, s9;
	[sflag:s12] =	ssyncadd.s32 $0xFFFFFFB0  }
0x36: {  	[tilespmem:s13], [sflag:$0x2] =	stream.linear.gather [hbm4b:s19+s3], $0x50, $0x38;
	[tilespmem:$0x16900] =	vst v63  }
0x37: {  	_ =	swait.ge [sflag:s12], $0x50  }
0x38: {  	[sflag:s12] =	ssyncset.done $0x0  }
0x39: {  	[sflag:s12] =	ssyncadd.s32 $0xFFFFFFB0  }
0x3a: {  	v1 =	vld [tilespmem:$0x40]  }
0x3b: {  	v2 =	vld [tilespmem:$0x20]  }
0x3c: {  	v3 =	vld [tilespmem:$0x30]  }
0x3d: {  	v4 =	vld [tilespmem:$0x10]  }
0x3e: {  	v5 =	vld [tilespmem:$0x0]  }
0x3f: {  	v1 =	vadd.s32 v0, v1  }
0x40: {  	v2 =	vadd.s32 v0, v2;
	[tilespmem:$0x40] =	vst v1  }
0x41: {  	[tilespmem:$0x20] =	vst v2;
	v1 =	vadd.s32 v0, v3  }
0x42: {  	v2 =	vadd.s32 v0, v4;
	[tilespmem:$0x30] =	vst v1  }
.Ltmp0:
0x43: {  	v1 =	vadd.s32 v0, v5;
	[tilespmem:$0x10] =	vst v2;
	(pc) =	sbr.rel @p0 .LBB2_2-.Ltmp0, $4  }
0x44: {  	[tilespmem:$0x0] =	vst v1  }
0x45: {  	[tilespmem:s15], [sflag:$0x1] =	stream.indirect.gather [hbm4b:s4+s14], $0x80, s3, s14, $0xb8;
	[tilespmem:$0x16900] =	vst v63  }
0x46: {  	_ =	swait.ge [sflag:s16], $0x2800  }
0x47: {  	[sflag:s16] =	ssyncset.done $0x0  }
0x48: {  	[sflag:s16] =	ssyncadd.s32 $0xFFFFD800  }
0x49: {  	[spmem:s2] =	stream.indirect.scatter.add.f32 [tilespmem:s15], [sflag:$0x2], $0x80, s13, s14, $0xb8;
	[tilespmem:$0x16900] =	vst v63  }
0x4a: {  	_ =	swait.ge [sflag:s12], $0x2800  }
0x4b: {  	s17 =	sadd.s32 $0x1, s17;
	[sflag:s12] =	ssyncset.done $0x0  }
0x4c: {  	p0 =	sne.s32 s17, s8;
	[sflag:s12] =	ssyncadd.s32 $0xFFFFD800  }
.Ltmp1:
0x4d: {  	[bflag:$0x0] =	sbarrier.arrive $0xFFFF;
	(pc) =	sbr.rel @p0 .LBB2_1-.Ltmp1, $4  }
0x4e: {  	[hbm:s7], [sflag:s6] =	dma.local [spmem:s11], $0x2800  }
0x4f: {  	_ =	swait.ge [sflag:s12], $0x2800  }
0x50: {  	[sflag:s12] =	ssyncset.done $0x0  }
0x51: {  	[sflag:s12] =	ssyncadd.s32 $0xFFFFD800  }
0x52: {  	_ =	sfence.sel $0x180000  }
0x53: {  	[bflag:$0x0] =	sbarrier.arrive $0xFFFF  }
0x54: {  	p0 =	sne.s32 s0, $0x0;
	_ =	strace $0x9000004A  }
0x55: {  	s0 =	sadd.s32 @!p0 $0x100000, s1;
	[bflag:$0x2] =	sbarrier.arrive $0xFFFF  }
0x56: {  	[sflag:s0] =	ssyncadd.tile.s32 @!p0 $0x1;
	_ =	shalt  }
.Lfunc_end2:
_tile_overlayer_lowered:
.L_overlay_start_2:
0x57: {  	(tag) =	ssettag $0x2  }
0x58: {  	s0 =	rddreg [dreg:$0x0];
	s2 =	stileid.u32  }
0x59: {  	s1 =	rddreg [dreg:$0x1];
	p0 =	sne.s32 s2, $0x0  }
0x5a: {  	s3 =	rddreg [dreg:$0x2];
	[bflag:$0x3] =	sbarrier.arrive $0xFFFF;
	s2 =	simm.s32 @!p0 $0x1C02  }
0x5b: {  	[timem:s3], [sflag:s2] =	dma.local @!p0 [hbm:s0], s1  }
0x5c: {  	s0 =	simm.s32 @!p0 $0x2  }
0x5d: {  	_ =	swait.ge @!p0 [sflag:s0], s1  }
0x5e: {  	s1 =	ssub.s32 @!p0 $0x0, s1;
	[sflag:s0] =	ssyncset.done @!p0 $0x0  }
0x5f: {  	[sflag:s0] =	ssyncadd.s32 @!p0 s1  }
0x60: {  	[bflag:$0x3] =	sbarrier.arrive $0xFFFF  }
0x61: {  	_ =	shalt  }

// kernel: kernel.15.cloned.1.call-start
scs
__scs_entry_jumppad:
0x0: {  	(pc) =	sbr.rel $0x88, $3  }
0x1: {  	(tag) =	ssettag $0x0;
	lr =	simm.s32 $0x1  }
0x2: {  	[smem:$0x3F99] =	sst lr;
	_ =	strace $0xD0000000  }
0x3: {  	_ = 	snop  }
0x4: {  	_ = 	snop  }
0x5: {  	_ = 	snop  }
0x6: {  	_ = 	snop  }
0x7: {  	_ = 	snop  }
__scs_overlays_trampoline_lowered:
0x8: {  	[smem:$0x3FA8] =	sst s0  }
0x9: {  	[smem:$0x3FA9] =	sst s1  }
0xa: {  	[smem:$0x3FAA] =	sst s2  }
0xb: {  	[smem:$0x3FAB] =	sst s3  }
0xc: {  	[smem:$0x3FAC] =	sst s4  }
0xd: {  	[smem:$0x3FAD] =	sst s5  }
0xe: {  	[smem:$0x3FAE] =	sst s6  }
0xf: {  	[smem:$0x3FAF] =	sst s7  }
0x10: {  	[smem:$0x3FB0] =	sst s8  }
0x11: {  	[smem:$0x3FB1] =	sst s9;
	s0 =	simm.s32 @!p0 $0x0  }
0x12: {  	s1 =	sld [smem:$0x3F97];
	s0 =	simm.s32 @p0 $0x1  }
0x13: {  	[smem:$0x3FB2] =	sst s0;
	s0 =	simm.s32 @!p1 $0x0  }
0x14: {  	s2 =	sld [smem:$0x3F96];
	s0 =	simm.s32 @p1 $0x1  }
0x15: {  	[smem:$0x3FB3] =	sst s0;
	s0 =	simm.s32 @!p2 $0x0  }
0x16: {  	s3 =	sld [smem:$0x3FDB];
	s0 =	simm.s32 @p2 $0x1  }
0x17: {  	s4 =	simm.s32 $0x1BF5;
	[smem:$0x3FB5] =	sst s0  }
0x18: {  	s0 =	sld [smem:$0x3F98];
	_ =	swait.ge [sflag:s4], $0x0  }
0x19: {  	s7 =	sld [smem:$0x3F99]  }
0x1a: {  	s8 =	sadd.s32 $0xFFFFE003, lr  }
0x1b: {  	s9 =	sadd.s32 $0xFFFFFEF7, lr;
	s5 =	simm.s32 $0xFFFFFFFF;
	p2 =	slt.u32 s8, $0xFFFFF086  }
0x1c: {  	p1 =	slt.u32 s9, $0xF7A;
	s5 =	simm.s32 @!p2 $0x0  }
0x1d: {  	s5 =	simm.s32 @p1 $0x1;
	p0 =	seq.s32 s7, s2  }
0x1e: {  	s7 =	smul.u32 @!p0 $0xF7A, s2;
	p2 =	seq.s32 @!p0 s5, $0x0  }
0x1f: {  	s9 =	smul.u32 $0xF7A, s1;
	s8 =	simm.s32 @!p0 $0x1BF5;
	p2 =	por !p2, p0  }
0x20: {  	[sflag:s8] =	ssyncset.s32 @!p0 $0xFFFFF086;
	s6 =	sadd.s32 @!p0 s3, s7;
	s7 =	simm.s32 @!p0 $0x108  }
0x21: {  	s3 =	sadd.s32 s3, s9;
	s6 =	sadd.s32 @!p0 $0x88, s6;
	s7 =	simm.s32 @p2 $0x1082  }
0x22: {  	[simem:s7], [sflag:s8] =	dma.local @!p0 [hbm:s6], $0xF7A  }
0x23: {  	s9 =	sor.u32 $0xD0000000, s2;
	s6 =	simm.s32 $0x108;
	_ =	swait.ge @!p0 [sflag:s8], $0x0  }
0x24: {  	s3 =	sadd.s32 $0x88, s3;
	s6 =	simm.s32 @!p1 $0x1082;
	[sflag:s4] =	ssyncset.s32 $0xFFFFF086  }
0x25: {  	[simem:s6], [sflag:s4] =	dma.local [hbm:s3], $0xF7A  }
0x26: {  	[smem:$0x3F99] =	sst s1;
	(tag) =	ssettag s2;
	_ =	strace s9  }
0x27: {  	s1 =	sld [smem:$0x3FA9]  }
0x28: {  	s2 =	sld [smem:$0x3FAA]  }
0x29: {  	s4 =	sld [smem:$0x3FAC]  }
0x2a: {  	p0 =	seq.s32 s5, $0x0;
	s5 =	sld [smem:$0x3FAD]  }
0x2b: {  	s6 =	sld [smem:$0x3FAE]  }
0x2c: {  	s7 =	sld [smem:$0x3FAF]  }
0x2d: {  	s3 =	simm.s32 $0x108;
	s8 =	sld [smem:$0x3FB0]  }
0x2e: {  	s3 =	simm.s32 @!p0 $0x1082;
	s9 =	sld [smem:$0x3FB1]  }
0x2f: {  	lr =	sadd.s32 s0, s3;
	s0 =	sld [smem:$0x3FA8]  }
0x30: {  	s3 =	sld [smem:$0x3FAB]  }
0x31: {  	[smem:$0x3FB4] =	sst s10  }
0x32: {  	s10 =	sld [smem:$0x3FB2];
	_ =	sdelay $0x3  }
0x33: {  	p0 =	seq.s32 s10, $0x1;
	s10 =	sld [smem:$0x3FB4];
	_ =	sdelay $0x3  }
0x34: {  	[smem:$0x3FB4] =	sst s10  }
0x35: {  	s10 =	sld [smem:$0x3FB3];
	_ =	sdelay $0x3  }
0x36: {  	p1 =	seq.s32 s10, $0x1;
	s10 =	sld [smem:$0x3FB4];
	_ =	sdelay $0x3  }
0x37: {  	[smem:$0x3FB4] =	sst s10  }
0x38: {  	s10 =	sld [smem:$0x3FB5]  }
0x39: {  	_ = 	snop;
	(pc) =	sbr.ind lr, $3  }
0x3a: {  	_ = 	snop  }
0x3b: {  	_ = 	snop  }
0x3c: {  	p2 =	seq.s32 s10, $0x1;
	s10 =	sld [smem:$0x3FB4]  }
0x3d: {  	_ =	shalt  }
0x3e: {  	_ =	shalt  }
0x3f: {  	_ =	shalt  }
0x40: {  	_ =	shalt  }
0x41: {  	_ =	shalt  }
0x42: {  	_ =	shalt  }
0x43: {  	_ =	shalt  }
0x44: {  	_ =	shalt  }
0x45: {  	_ =	shalt  }
0x46: {  	_ =	shalt  }
0x47: {  	_ =	shalt  }
0x48: {  	_ =	shalt  }
0x49: {  	_ =	shalt  }
0x4a: {  	_ =	shalt  }
0x4b: {  	_ =	shalt  }
0x4c: {  	_ =	shalt  }
0x4d: {  	_ =	shalt  }
0x4e: {  	_ =	shalt  }
0x4f: {  	_ =	shalt  }
0x50: {  	_ =	shalt  }
0x51: {  	_ =	shalt  }
0x52: {  	_ =	shalt  }
0x53: {  	_ =	shalt  }
0x54: {  	_ =	shalt  }
0x55: {  	_ =	shalt  }
0x56: {  	_ =	shalt  }
0x57: {  	_ =	shalt  }
0x58: {  	_ =	shalt  }
0x59: {  	_ =	shalt  }
0x5a: {  	_ =	shalt  }
0x5b: {  	_ =	shalt  }
0x5c: {  	_ =	shalt  }
0x5d: {  	_ =	shalt  }
0x5e: {  	_ =	shalt  }
0x5f: {  	_ =	shalt  }
0x60: {  	_ =	shalt  }
0x61: {  	_ =	shalt  }
0x62: {  	_ =	shalt  }
0x63: {  	_ =	shalt  }
0x64: {  	_ =	shalt  }
0x65: {  	_ =	shalt  }
0x66: {  	_ =	shalt  }
0x67: {  	_ =	shalt  }
0x68: {  	_ =	shalt  }
0x69: {  	_ =	shalt  }
0x6a: {  	_ =	shalt  }
0x6b: {  	_ =	shalt  }
0x6c: {  	_ =	shalt  }
0x6d: {  	_ =	shalt  }
0x6e: {  	_ =	shalt  }
0x6f: {  	_ =	shalt  }
0x70: {  	_ =	shalt  }
0x71: {  	_ =	shalt  }
0x72: {  	_ =	shalt  }
0x73: {  	_ =	shalt  }
0x74: {  	_ =	shalt  }
0x75: {  	_ =	shalt  }
0x76: {  	_ =	shalt  }
0x77: {  	_ =	shalt  }
0x78: {  	_ =	shalt  }
0x79: {  	_ =	shalt  }
0x7a: {  	_ =	shalt  }
0x7b: {  	_ =	shalt  }
0x7c: {  	_ =	shalt  }
0x7d: {  	_ =	shalt  }
0x7e: {  	_ =	shalt  }
0x7f: {  	_ =	shalt  }
0x80: {  	_ =	shalt  }
0x81: {  	_ =	shalt  }
0x82: {  	_ =	shalt  }
0x83: {  	_ =	shalt  }
0x84: {  	_ =	shalt  }
0x85: {  	_ =	shalt  }
0x86: {  	_ =	shalt  }
0x87: {  	_ =	shalt  }
.Lfunc_end0:
.L_simem_size_0:
called_computation.2_lowered:
.L_overlay_start_0:
0x88: {  	s2 =	sld [smem:$0x3FD9]  }
0x89: {  	s3 =	sld [smem:$0x3FFE];
	_ =	sdelay $0x1  }
0x8a: {  	s1 =	srdreg.scid  }
0x8b: {  	s0 =	sand.u32 $0x1, s1  }
0x8c: {  	s14 =	sshll.u32 s0, $0xA;
	s2 =	sadd.s32 s3, s2  }
0x8d: {  	s2 =	sadd.s32 s2, s14  }
0x8e: {  	[smem:$0x3FC0] =	sst s2  }
0x8f: {  	_ = 	snop  }
0x90: {  	s2 =	sld [smem:$0x3FD0];
	_ =	sdelay $0x2  }
0x91: {  	s15 =	simm.s32 $0xA;
	s4 =	simm.s32 $0x10  }
0x92: {  	[smem:s4], [sflag:s15] =	dma.local [hbm:s2], $0x1  }
0x93: {  	_ =	swait.eq [sflag:s15], $0x1  }
0x94: {  	[sflag:s15] =	ssyncset.done $0x0  }
0x95: {  	[sflag:s15] =	ssyncadd.s32 $0xFFFFFFFF  }
0x96: {  	s16 =	sld [smem:$0x10];
	(tm) =	ssettm $0x1  }
0x97: {  	s17 =	sld [smem:$0x3FFB];
	_ =	sdelay $0x3  }
0x98: {  	_ =	strace s17  }
0x99: {  	s3 =	sld [smem:$0x3FFC];
	_ =	sdelay $0x3  }
0x9a: {  	_ =	strace s3  }
0x9b: {  	s3 =	sld [smem:$0x3FFD];
	_ =	sdelay $0x3  }
0x9c: {  	_ =	strace s3  }
0x9d: {  	_ =	strace $0x8FFFFFFF  }
0x9e: {  	s18 =	sld [smem:$0x3FDB];
	_ =	sdelay $0x1  }
0x9f: {  	s19 =	simm.s32 $_scs_section_size  }
0xa0: {  	s5 =	simm.s32 $_size__tile_overlayer_lowered;
	s6 =	simm.s32 $_tile_overlayer_lowered  }
0xa1: {  	s22 =	simm.s32 $0x1BFF;
	s21 =	sshll.u32 s6, $0x1;
	s3 =	sadd.s32 s19, s18  }
0xa2: {  	s7 =	simm.s32 $0x0;
	s20 =	sshll.u32 s5, $0x1;
	s5 =	sadd.s32 s21, s3  }
0xa3: {  	[timem:s7], [sflag:s22] =	dma.local [hbm:s5], s20  }
0xa4: {  	_ =	swait.ge [sflag:s22], s20  }
0xa5: {  	s4 =	ssub.s32 $0x0, s20;
	[sflag:s22] =	ssyncset.done $0x0  }
0xa6: {  	[sflag:s22] =	ssyncadd.s32 s4;
	_ =	sdelay $0x1  }
0xa7: {  	s23 =	simm.s32 $0x1B8B  }
0xa8: {  	_ =	swait.ge [sflag:s23], $0x1  }
0xa9: {  	[sflag:s23] =	ssyncset.done $0x0  }
0xaa: {  	s25 =	simm.s32 $0x1B8E;
	s24 =	sld [smem:$0x3FFE];
	[sflag:s23] =	ssyncadd.s32 $0xFFFFFFFF  }
0xab: {  	s26 =	simm.s32 $execute0_lowered;
	[smem:$0x3FD2] =	sst s25  }
0xac: {  	s5 =	sshll.u32 s26, $0x1;
	_ =	strace $0x8000004C;
	[dreg:$0x1] =	wrdreg $0xFFFFFFFF  }
0xad: {  	s28 =	simm.s32 $_size_execute0_lowered;
	s3 =	sadd.s32 s3, s5;
	[dreg:$0x0] =	wrdreg $0x0  }
0xae: {  	s5 =	sshll.u32 s28, $0x1;
	[dreg:$0x2] =	wrdreg s3  }
0xaf: {  	[dreg:$0x3] =	wrdreg s5  }
0xb0: {  	[dreg:$0x4] =	wrdreg $0xC0  }
0xb1: {  	_ =	task [dreg:s7], $0x5FFFF  }
0xb2: {  	[dreg:$0x1] =	wrdreg $0xFFFFFFFF  }
0xb3: {  	[dreg:$0x0] =	wrdreg $0x60  }
0xb4: {  	[dreg:$0x2] =	wrdreg s24  }
0xb5: {  	[dreg:$0x3] =	wrdreg s16  }
0xb6: {  	[dreg:$0x4] =	wrdreg $0x29000  }
0xb7: {  	[dreg:$0x5] =	wrdreg $0x9  }
0xb8: {  	_ =	task.clear_ibuf [dreg:s7], $0x6FFFF;
	_ =	strace $0x9000004C  }
0xb9: {  	s29 =	simm.s32 $0x9;
	_ =	strace $0x8000004E  }
0xba: {  	_ =	swait.ge [sflag:s29], $0x1  }
0xbb: {  	[sflag:s29] =	ssyncadd.s32 $0xFFFFFFFF  }
0xbc: {  	_ =	strace $0x9000004E  }
0xbd: {  	_ =	sfence  }
0xbe: {  	s30 =	sld [smem:$0x0];
	_ =	sdelay $0x2  }
0xbf: {  	s31 =	sshll.u32 s1, $0xD;
	s1 =	sshrl.u32 s1, $0x2  }
0xc0: {  	s3 =	sand.u32 $0x4000, s31;
	s1 =	sadd.s32 s1, s30  }
0xc1: {  	s0 =	sor.u32 s3, s0;
	s1 =	sshll.u32 s1, $0x11  }
0xc2: {  	s0 =	sor.u32 s1, s0  }
0xc3: {  	s0 =	sadd.s32 $0x8F2B, s0  }
0xc4: {  	[sflag:s0] =	ssyncadd.remote.s32 $0x1  }
0xc5: {  	_ =	sfence.sel $0xFFFF  }
0xc6: {  	[dreg:$0x0] =	wrdreg $0xFFFFFFFF;
	(pc) =	sbr.abs _section_cstart, $3  }
0xc7: {  	[dreg:$0x1] =	wrdreg $0xFFFFFFFF  }
0xc8: {  	_ =	task.clear_ibuf [dreg:s7], $0x2FFFF;
	_ =	strace $0x9FFFFFFF  }
0xc9: {  	(tm) =	ssettm $0x7FFFFFFF  }
tec
execute0_lowered:
.L_overlay_start_1:
0x0: {  	(tag) =	ssettag $0x1  }
0x1: {  	s5 =	rddreg [dreg:$0x0]  }
0x2: {  	s0 =	srdreg.scid;
	s9 =	rddreg [dreg:$0x1]  }
0x3: {  	s2 =	rddreg [dreg:$0x2];
	s6 =	sand.u32 $0x1, s0  }
0x4: {  	s0 =	stileid.u32;
	s4 =	smul.u32 $0x4E200, s6  }
0x5: {  	s1 =	rddreg [dreg:$0x3];
	s3 =	simm.s32 $0x0;
	s7 =	smul.u32 $0x4E20, s0  }
0x6: {  	s14 =	simm.s32 $0x50;
	s16 =	simm.s32 $0x1;
	s29 =	smul.u32 $0x280, s0  }
0x7: {  	s17 =	simm.s32 $0x0;
	[smem:$0x7FF] =	sst s3;
	s15 =	smul.u32 $0x2800, s6  }
0x8: {  	_ =	strace $0x8000004D;
	s8 =	smul.u32 $0x2800, s0;
	s6 =	ssub.s32 $0x2, s6  }
0x9: {  	s12 =	smul.u32 $0x50000, s0;
	s31 =	sshll.u32 s0, $0x6;
	s13 =	sshrl.u32 s6, $0x1  }
0xa: {  	s4 =	sadd.s32 s7, s4;
	s7 =	sadd.s32 s29, s15;
	s8 =	sadd.s32 s8, s5  }
0xb: {  	s13 =	ssub.s32 s6, s13;
	s30 =	sshrl.u32 s12, $0x2;
	s6 =	sor.u32 $0x1C02, s31  }
0xc: {  	v0 =	vmov s15;
	s15 =	simm.s32 $0x100;
	s10 =	sshrl.u32 s4, $0x3;
	s4 =	sadd.s32 $0x8E000, s5  }
0xd: {  	s7 =	sshll.u32 s7, $0x4;
	s12 =	sadd.s32 s30, s2;
	s11 =	sadd.s32 s10, s5  }
0xe: {  	s7 =	sadd.s32 s7, s5;
	s5 =	sadd.s32 $0x16000, s8;
	s8 =	smax.u32 s13, $0x1  }
0xf: {  	s9 =	sadd.s32 s10, s9;
	s13 =	simm.s32 $0x80;
	s7 =	sadd.s32 $0xDE000, s7  }
0x10: {  	s10 =	sadd.s32 $0x2000, s11;
	s11 =	sshrl.u32 s12, $0x3;
	s12 =	simm.s32 $0x2  }
.LBB2_1:
0x11: {  	[spmem:s11], [sflag:s6] =	dma.local [hbm:s5], $0x2800  }
0x12: {  	_ =	swait.ge [sflag:s12], $0x2800  }
0x13: {  	[sflag:s12] =	ssyncset.done $0x0  }
0x14: {  	[sflag:s12] =	ssyncadd.s32 $0xFFFFD800  }
0x15: {  	s18 =	sadd.s32 $0x0, s10;
	[bflag:$0x0] =	sbarrier.arrive $0xFFFF  }
0x16: {  	[tilespmem:s3], [sflag:$0x2] =	stream.linear.gather [hbm4b:s18+s3], $0x50, $0x38;
	[tilespmem:$0x16900] =	vst v63  }
0x17: {  	_ =	swait.ge [sflag:s12], $0x50  }
0x18: {  	[sflag:s12] =	ssyncset.done $0x0  }
0x19: {  	s31 =	sadd.s32 $0x0, s9;
	[sflag:s12] =	ssyncadd.s32 $0xFFFFFFB0  }
0x1a: {  	[tilespmem:s13], [sflag:$0x2] =	stream.linear.gather [hbm4b:s31+s3], $0x50, $0x38;
	[tilespmem:$0x16900] =	vst v63  }
0x1b: {  	_ =	swait.ge [sflag:s12], $0x50  }
0x1c: {  	[sflag:s12] =	ssyncset.done $0x0  }
0x1d: {  	[sflag:s12] =	ssyncadd.s32 $0xFFFFFFB0  }
0x1e: {  	v1 =	vld [tilespmem:$0x40]  }
0x1f: {  	v2 =	vld [tilespmem:$0x20]  }
0x20: {  	v3 =	vld [tilespmem:$0x30]  }
0x21: {  	v4 =	vld [tilespmem:$0x10]  }
0x22: {  	v5 =	vld [tilespmem:$0x0]  }
0x23: {  	v1 =	vadd.s32 v0, v1  }
0x24: {  	v2 =	vadd.s32 v0, v2;
	[tilespmem:$0x40] =	vst v1  }
0x25: {  	[tilespmem:$0x20] =	vst v2;
	v1 =	vadd.s32 v0, v3  }
0x26: {  	v2 =	vadd.s32 v0, v4;
	[tilespmem:$0x30] =	vst v1  }
0x27: {  	v1 =	vadd.s32 v0, v5;
	[tilespmem:$0x10] =	vst v2  }
0x28: {  	[tilespmem:$0x0] =	vst v1  }
0x29: {  	[tilespmem:s15], [sflag:$0x1] =	stream.indirect.gather [hbm4b:s4+s14], $0x80, s3, s14, $0xb8;
	[tilespmem:$0x16900] =	vst v63  }
0x2a: {  	_ =	swait.ge [sflag:s16], $0x2800  }
0x2b: {  	s18 =	simm.s32 $0xA;
	[sflag:s16] =	ssyncset.done $0x0  }
.LBB2_2:
0x2c: {  	p0 =	sne.s32 s18, $0x9BA  }
0x2d: {  	[sflag:s16] =	ssyncadd.s32 $0xFFFFD800;
	s19 =	smov.u32 s18;
	s18 =	sadd.s32 $0xA, s18  }
0x2e: {  	[spmem:s2] =	stream.indirect.scatter.add.f32 [tilespmem:s15], [sflag:$0x2], $0x80, s13, s14, $0xb8;
	[tilespmem:$0x16900] =	vst v63  }
0x2f: {  	_ =	swait.ge [sflag:s12], $0x2800  }
0x30: {  	[sflag:s12] =	ssyncset.done $0x0  }
0x31: {  	s20 =	sadd.s32 s19, s10;
	[sflag:s12] =	ssyncadd.s32 $0xFFFFD800  }
0x32: {  	[tilespmem:s3], [sflag:$0x2] =	stream.linear.gather [hbm4b:s20+s3], $0x50, $0x38;
	[tilespmem:$0x16900] =	vst v63  }
0x33: {  	_ =	swait.ge [sflag:s12], $0x50  }
0x34: {  	[sflag:s12] =	ssyncset.done $0x0  }
0x35: {  	s19 =	sadd.s32 s19, s9;
	[sflag:s12] =	ssyncadd.s32 $0xFFFFFFB0  }
0x36: {  	[tilespmem:s13], [sflag:$0x2] =	stream.linear.gather [hbm4b:s19+s3], $0x50, $0x38;
	[tilespmem:$0x16900] =	vst v63  }
0x37: {  	_ =	swait.ge [sflag:s12], $0x50  }
0x38: {  	[sflag:s12] =	ssyncset.done $0x0  }
0x39: {  	[sflag:s12] =	ssyncadd.s32 $0xFFFFFFB0  }
0x3a: {  	v1 =	vld [tilespmem:$0x40]  }
0x3b: {  	v2 =	vld [tilespmem:$0x20]  }
0x3c: {  	v3 =	vld [tilespmem:$0x30]  }
0x3d: {  	v4 =	vld [tilespmem:$0x10]  }
0x3e: {  	v5 =	vld [tilespmem:$0x0]  }
0x3f: {  	v1 =	vadd.s32 v0, v1  }
0x40: {  	v2 =	vadd.s32 v0, v2;
	[tilespmem:$0x40] =	vst v1  }
0x41: {  	[tilespmem:$0x20] =	vst v2;
	v1 =	vadd.s32 v0, v3  }
0x42: {  	v2 =	vadd.s32 v0, v4;
	[tilespmem:$0x30] =	vst v1  }
.Ltmp0:
0x43: {  	v1 =	vadd.s32 v0, v5;
	[tilespmem:$0x10] =	vst v2;
	(pc) =	sbr.rel @p0 .LBB2_2-.Ltmp0, $4  }
0x44: {  	[tilespmem:$0x0] =	vst v1  }
0x45: {  	[tilespmem:s15], [sflag:$0x1] =	stream.indirect.gather [hbm4b:s4+s14], $0x80, s3, s14, $0xb8;
	[tilespmem:$0x16900] =	vst v63  }
0x46: {  	_ =	swait.ge [sflag:s16], $0x2800  }
0x47: {  	[sflag:s16] =	ssyncset.done $0x0  }
0x48: {  	[sflag:s16] =	ssyncadd.s32 $0xFFFFD800  }
0x49: {  	[spmem:s2] =	stream.indirect.scatter.add.f32 [tilespmem:s15], [sflag:$0x2], $0x80, s13, s14, $0xb8;
	[tilespmem:$0x16900] =	vst v63  }
0x4a: {  	_ =	swait.ge [sflag:s12], $0x2800  }
0x4b: {  	s17 =	sadd.s32 $0x1, s17;
	[sflag:s12] =	ssyncset.done $0x0  }
0x4c: {  	p0 =	sne.s32 s17, s8;
	[sflag:s12] =	ssyncadd.s32 $0xFFFFD800  }
.Ltmp1:
0x4d: {  	[bflag:$0x0] =	sbarrier.arrive $0xFFFF;
	(pc) =	sbr.rel @p0 .LBB2_1-.Ltmp1, $4  }
0x4e: {  	[hbm:s7], [sflag:s6] =	dma.local [spmem:s11], $0x2800  }
0x4f: {  	_ =	swait.ge [sflag:s12], $0x2800  }
0x50: {  	[sflag:s12] =	ssyncset.done $0x0  }
0x51: {  	[sflag:s12] =	ssyncadd.s32 $0xFFFFD800  }
0x52: {  	_ =	sfence.sel $0x180000  }
0x53: {  	[bflag:$0x0] =	sbarrier.arrive $0xFFFF  }
0x54: {  	p0 =	sne.s32 s0, $0x0;
	_ =	strace $0x9000004D  }
0x55: {  	s0 =	sadd.s32 @!p0 $0x100000, s1;
	[bflag:$0x2] =	sbarrier.arrive $0xFFFF  }
0x56: {  	[sflag:s0] =	ssyncadd.tile.s32 @!p0 $0x1;
	_ =	shalt  }
.Lfunc_end2:
_tile_overlayer_lowered:
.L_overlay_start_2:
0x57: {  	(tag) =	ssettag $0x2  }
0x58: {  	s0 =	rddreg [dreg:$0x0];
	s2 =	stileid.u32  }
0x59: {  	s1 =	rddreg [dreg:$0x1];
	p0 =	sne.s32 s2, $0x0  }
0x5a: {  	s3 =	rddreg [dreg:$0x2];
	[bflag:$0x3] =	sbarrier.arrive $0xFFFF;
	s2 =	simm.s32 @!p0 $0x1C02  }
0x5b: {  	[timem:s3], [sflag:s2] =	dma.local @!p0 [hbm:s0], s1  }
0x5c: {  	s0 =	simm.s32 @!p0 $0x2  }
0x5d: {  	_ =	swait.ge @!p0 [sflag:s0], s1  }
0x5e: {  	s1 =	ssub.s32 @!p0 $0x0, s1;
	[sflag:s0] =	ssyncset.done @!p0 $0x0  }
0x5f: {  	[sflag:s0] =	ssyncadd.s32 @!p0 s1  }
0x60: {  	[bflag:$0x3] =	sbarrier.arrive $0xFFFF  }
0x61: {  	_ =	shalt  }

// kernel: kernel.9.cloned.1.call-start
scs
__scs_entry_jumppad:
0x0: {  	(pc) =	sbr.rel $0x88, $3  }
0x1: {  	(tag) =	ssettag $0x0;
	lr =	simm.s32 $0x1  }
0x2: {  	[smem:$0x3F99] =	sst lr;
	_ =	strace $0xD0000000  }
0x3: {  	_ = 	snop  }
0x4: {  	_ = 	snop  }
0x5: {  	_ = 	snop  }
0x6: {  	_ = 	snop  }
0x7: {  	_ = 	snop  }
__scs_overlays_trampoline_lowered:
0x8: {  	[smem:$0x3FA8] =	sst s0  }
0x9: {  	[smem:$0x3FA9] =	sst s1  }
0xa: {  	[smem:$0x3FAA] =	sst s2  }
0xb: {  	[smem:$0x3FAB] =	sst s3  }
0xc: {  	[smem:$0x3FAC] =	sst s4  }
0xd: {  	[smem:$0x3FAD] =	sst s5  }
0xe: {  	[smem:$0x3FAE] =	sst s6  }
0xf: {  	[smem:$0x3FAF] =	sst s7  }
0x10: {  	[smem:$0x3FB0] =	sst s8  }
0x11: {  	[smem:$0x3FB1] =	sst s9;
	s0 =	simm.s32 @!p0 $0x0  }
0x12: {  	s1 =	sld [smem:$0x3F97];
	s0 =	simm.s32 @p0 $0x1  }
0x13: {  	[smem:$0x3FB2] =	sst s0;
	s0 =	simm.s32 @!p1 $0x0  }
0x14: {  	s2 =	sld [smem:$0x3F96];
	s0 =	simm.s32 @p1 $0x1  }
0x15: {  	[smem:$0x3FB3] =	sst s0;
	s0 =	simm.s32 @!p2 $0x0  }
0x16: {  	s3 =	sld [smem:$0x3FDB];
	s0 =	simm.s32 @p2 $0x1  }
0x17: {  	s4 =	simm.s32 $0x1BF5;
	[smem:$0x3FB5] =	sst s0  }
0x18: {  	s0 =	sld [smem:$0x3F98];
	_ =	swait.ge [sflag:s4], $0x0  }
0x19: {  	s7 =	sld [smem:$0x3F99]  }
0x1a: {  	s8 =	sadd.s32 $0xFFFFE003, lr  }
0x1b: {  	s9 =	sadd.s32 $0xFFFFFEF7, lr;
	s5 =	simm.s32 $0xFFFFFFFF;
	p2 =	slt.u32 s8, $0xFFFFF086  }
0x1c: {  	p1 =	slt.u32 s9, $0xF7A;
	s5 =	simm.s32 @!p2 $0x0  }
0x1d: {  	s5 =	simm.s32 @p1 $0x1;
	p0 =	seq.s32 s7, s2  }
0x1e: {  	s7 =	smul.u32 @!p0 $0xF7A, s2;
	p2 =	seq.s32 @!p0 s5, $0x0  }
0x1f: {  	s9 =	smul.u32 $0xF7A, s1;
	s8 =	simm.s32 @!p0 $0x1BF5;
	p2 =	por !p2, p0  }
0x20: {  	[sflag:s8] =	ssyncset.s32 @!p0 $0xFFFFF086;
	s6 =	sadd.s32 @!p0 s3, s7;
	s7 =	simm.s32 @!p0 $0x108  }
0x21: {  	s3 =	sadd.s32 s3, s9;
	s6 =	sadd.s32 @!p0 $0x88, s6;
	s7 =	simm.s32 @p2 $0x1082  }
0x22: {  	[simem:s7], [sflag:s8] =	dma.local @!p0 [hbm:s6], $0xF7A  }
0x23: {  	s9 =	sor.u32 $0xD0000000, s2;
	s6 =	simm.s32 $0x108;
	_ =	swait.ge @!p0 [sflag:s8], $0x0  }
0x24: {  	s3 =	sadd.s32 $0x88, s3;
	s6 =	simm.s32 @!p1 $0x1082;
	[sflag:s4] =	ssyncset.s32 $0xFFFFF086  }
0x25: {  	[simem:s6], [sflag:s4] =	dma.local [hbm:s3], $0xF7A  }
0x26: {  	[smem:$0x3F99] =	sst s1;
	(tag) =	ssettag s2;
	_ =	strace s9  }
0x27: {  	s1 =	sld [smem:$0x3FA9]  }
0x28: {  	s2 =	sld [smem:$0x3FAA]  }
0x29: {  	s4 =	sld [smem:$0x3FAC]  }
0x2a: {  	p0 =	seq.s32 s5, $0x0;
	s5 =	sld [smem:$0x3FAD]  }
0x2b: {  	s6 =	sld [smem:$0x3FAE]  }
0x2c: {  	s7 =	sld [smem:$0x3FAF]  }
0x2d: {  	s3 =	simm.s32 $0x108;
	s8 =	sld [smem:$0x3FB0]  }
0x2e: {  	s3 =	simm.s32 @!p0 $0x1082;
	s9 =	sld [smem:$0x3FB1]  }
0x2f: {  	lr =	sadd.s32 s0, s3;
	s0 =	sld [smem:$0x3FA8]  }
0x30: {  	s3 =	sld [smem:$0x3FAB]  }
0x31: {  	[smem:$0x3FB4] =	sst s10  }
0x32: {  	s10 =	sld [smem:$0x3FB2];
	_ =	sdelay $0x3  }
0x33: {  	p0 =	seq.s32 s10, $0x1;
	s10 =	sld [smem:$0x3FB4];
	_ =	sdelay $0x3  }
0x34: {  	[smem:$0x3FB4] =	sst s10  }
0x35: {  	s10 =	sld [smem:$0x3FB3];
	_ =	sdelay $0x3  }
0x36: {  	p1 =	seq.s32 s10, $0x1;
	s10 =	sld [smem:$0x3FB4];
	_ =	sdelay $0x3  }
0x37: {  	[smem:$0x3FB4] =	sst s10  }
0x38: {  	s10 =	sld [smem:$0x3FB5]  }
0x39: {  	_ = 	snop;
	(pc) =	sbr.ind lr, $3  }
0x3a: {  	_ = 	snop  }
0x3b: {  	_ = 	snop  }
0x3c: {  	p2 =	seq.s32 s10, $0x1;
	s10 =	sld [smem:$0x3FB4]  }
0x3d: {  	_ =	shalt  }
0x3e: {  	_ =	shalt  }
0x3f: {  	_ =	shalt  }
0x40: {  	_ =	shalt  }
0x41: {  	_ =	shalt  }
0x42: {  	_ =	shalt  }
0x43: {  	_ =	shalt  }
0x44: {  	_ =	shalt  }
0x45: {  	_ =	shalt  }
0x46: {  	_ =	shalt  }
0x47: {  	_ =	shalt  }
0x48: {  	_ =	shalt  }
0x49: {  	_ =	shalt  }
0x4a: {  	_ =	shalt  }
0x4b: {  	_ =	shalt  }
0x4c: {  	_ =	shalt  }
0x4d: {  	_ =	shalt  }
0x4e: {  	_ =	shalt  }
0x4f: {  	_ =	shalt  }
0x50: {  	_ =	shalt  }
0x51: {  	_ =	shalt  }
0x52: {  	_ =	shalt  }
0x53: {  	_ =	shalt  }
0x54: {  	_ =	shalt  }
0x55: {  	_ =	shalt  }
0x56: {  	_ =	shalt  }
0x57: {  	_ =	shalt  }
0x58: {  	_ =	shalt  }
0x59: {  	_ =	shalt  }
0x5a: {  	_ =	shalt  }
0x5b: {  	_ =	shalt  }
0x5c: {  	_ =	shalt  }
0x5d: {  	_ =	shalt  }
0x5e: {  	_ =	shalt  }
0x5f: {  	_ =	shalt  }
0x60: {  	_ =	shalt  }
0x61: {  	_ =	shalt  }
0x62: {  	_ =	shalt  }
0x63: {  	_ =	shalt  }
0x64: {  	_ =	shalt  }
0x65: {  	_ =	shalt  }
0x66: {  	_ =	shalt  }
0x67: {  	_ =	shalt  }
0x68: {  	_ =	shalt  }
0x69: {  	_ =	shalt  }
0x6a: {  	_ =	shalt  }
0x6b: {  	_ =	shalt  }
0x6c: {  	_ =	shalt  }
0x6d: {  	_ =	shalt  }
0x6e: {  	_ =	shalt  }
0x6f: {  	_ =	shalt  }
0x70: {  	_ =	shalt  }
0x71: {  	_ =	shalt  }
0x72: {  	_ =	shalt  }
0x73: {  	_ =	shalt  }
0x74: {  	_ =	shalt  }
0x75: {  	_ =	shalt  }
0x76: {  	_ =	shalt  }
0x77: {  	_ =	shalt  }
0x78: {  	_ =	shalt  }
0x79: {  	_ =	shalt  }
0x7a: {  	_ =	shalt  }
0x7b: {  	_ =	shalt  }
0x7c: {  	_ =	shalt  }
0x7d: {  	_ =	shalt  }
0x7e: {  	_ =	shalt  }
0x7f: {  	_ =	shalt  }
0x80: {  	_ =	shalt  }
0x81: {  	_ =	shalt  }
0x82: {  	_ =	shalt  }
0x83: {  	_ =	shalt  }
0x84: {  	_ =	shalt  }
0x85: {  	_ =	shalt  }
0x86: {  	_ =	shalt  }
0x87: {  	_ =	shalt  }
.Lfunc_end0:
.L_simem_size_0:
called_computation_lowered:
.L_overlay_start_0:
0x88: {  	s2 =	sld [smem:$0x3FD9]  }
0x89: {  	s3 =	sld [smem:$0x3FFE];
	_ =	sdelay $0x1  }
0x8a: {  	s1 =	srdreg.scid  }
0x8b: {  	s0 =	sand.u32 $0x1, s1  }
0x8c: {  	s14 =	sshll.u32 s0, $0xA;
	s2 =	sadd.s32 s3, s2  }
0x8d: {  	s2 =	sadd.s32 s2, s14  }
0x8e: {  	[smem:$0x3FC0] =	sst s2  }
0x8f: {  	_ = 	snop  }
0x90: {  	s2 =	sld [smem:$0x3FD0];
	_ =	sdelay $0x2  }
0x91: {  	s15 =	simm.s32 $0xA;
	s4 =	simm.s32 $0x10  }
0x92: {  	[smem:s4], [sflag:s15] =	dma.local [hbm:s2], $0x1  }
0x93: {  	_ =	swait.eq [sflag:s15], $0x1  }
0x94: {  	[sflag:s15] =	ssyncset.done $0x0  }
0x95: {  	[sflag:s15] =	ssyncadd.s32 $0xFFFFFFFF  }
0x96: {  	s16 =	sld [smem:$0x10];
	(tm) =	ssettm $0x1  }
0x97: {  	s17 =	sld [smem:$0x3FFB];
	_ =	sdelay $0x3  }
0x98: {  	_ =	strace s17  }
0x99: {  	s3 =	sld [smem:$0x3FFC];
	_ =	sdelay $0x3  }
0x9a: {  	_ =	strace s3  }
0x9b: {  	s3 =	sld [smem:$0x3FFD];
	_ =	sdelay $0x3  }
0x9c: {  	_ =	strace s3  }
0x9d: {  	_ =	strace $0x8FFFFFFF  }
0x9e: {  	s18 =	sld [smem:$0x3FDB];
	_ =	sdelay $0x1  }
0x9f: {  	s19 =	simm.s32 $_scs_section_size  }
0xa0: {  	s5 =	simm.s32 $_size__tile_overlayer_lowered;
	s6 =	simm.s32 $_tile_overlayer_lowered  }
0xa1: {  	s22 =	simm.s32 $0x1BFF;
	s21 =	sshll.u32 s6, $0x1;
	s3 =	sadd.s32 s19, s18  }
0xa2: {  	s7 =	simm.s32 $0x0;
	s20 =	sshll.u32 s5, $0x1;
	s5 =	sadd.s32 s21, s3  }
0xa3: {  	[timem:s7], [sflag:s22] =	dma.local [hbm:s5], s20  }
0xa4: {  	_ =	swait.ge [sflag:s22], s20  }
0xa5: {  	s4 =	ssub.s32 $0x0, s20;
	[sflag:s22] =	ssyncset.done $0x0  }
0xa6: {  	[sflag:s22] =	ssyncadd.s32 s4;
	_ =	sdelay $0x1  }
0xa7: {  	s23 =	simm.s32 $0x1B8B  }
0xa8: {  	_ =	swait.ge [sflag:s23], $0x1  }
0xa9: {  	[sflag:s23] =	ssyncset.done $0x0  }
0xaa: {  	s25 =	simm.s32 $0x1B8E;
	s24 =	sld [smem:$0x3FFE];
	[sflag:s23] =	ssyncadd.s32 $0xFFFFFFFF  }
0xab: {  	s26 =	simm.s32 $execute0_lowered;
	[smem:$0x3FD2] =	sst s25  }
0xac: {  	s5 =	sshll.u32 s26, $0x1;
	_ =	strace $0x80000046;
	[dreg:$0x1] =	wrdreg $0xFFFFFFFF  }
0xad: {  	s28 =	simm.s32 $_size_execute0_lowered;
	s3 =	sadd.s32 s3, s5;
	[dreg:$0x0] =	wrdreg $0x0  }
0xae: {  	s5 =	sshll.u32 s28, $0x1;
	[dreg:$0x2] =	wrdreg s3  }
0xaf: {  	[dreg:$0x3] =	wrdreg s5  }
0xb0: {  	[dreg:$0x4] =	wrdreg $0xC0  }
0xb1: {  	_ =	task [dreg:s7], $0x5FFFF  }
0xb2: {  	[dreg:$0x1] =	wrdreg $0xFFFFFFFF  }
0xb3: {  	[dreg:$0x0] =	wrdreg $0x60  }
0xb4: {  	[dreg:$0x2] =	wrdreg s16  }
0xb5: {  	[dreg:$0x3] =	wrdreg s24  }
0xb6: {  	[dreg:$0x4] =	wrdreg $0x28800  }
0xb7: {  	[dreg:$0x5] =	wrdreg $0x9  }
0xb8: {  	_ =	task.clear_ibuf [dreg:s7], $0x6FFFF;
	_ =	strace $0x90000046  }
0xb9: {  	s29 =	simm.s32 $0x9;
	_ =	strace $0x80000048  }
0xba: {  	_ =	swait.ge [sflag:s29], $0x1  }
0xbb: {  	[sflag:s29] =	ssyncadd.s32 $0xFFFFFFFF  }
0xbc: {  	_ =	strace $0x90000048  }
0xbd: {  	_ =	sfence  }
0xbe: {  	s30 =	sld [smem:$0x0];
	_ =	sdelay $0x2  }
0xbf: {  	s31 =	sshll.u32 s1, $0xD;
	s1 =	sshrl.u32 s1, $0x2  }
0xc0: {  	s3 =	sand.u32 $0x4000, s31;
	s1 =	sadd.s32 s1, s30  }
0xc1: {  	s0 =	sor.u32 s3, s0;
	s1 =	sshll.u32 s1, $0x11  }
0xc2: {  	s0 =	sor.u32 s1, s0  }
0xc3: {  	s0 =	sadd.s32 $0x8F2B, s0  }
0xc4: {  	[sflag:s0] =	ssyncadd.remote.s32 $0x1  }
0xc5: {  	_ =	sfence.sel $0xFFFF  }
0xc6: {  	[dreg:$0x0] =	wrdreg $0xFFFFFFFF;
	(pc) =	sbr.abs _section_cstart, $3  }
0xc7: {  	[dreg:$0x1] =	wrdreg $0xFFFFFFFF  }
0xc8: {  	_ =	task.clear_ibuf [dreg:s7], $0x2FFFF;
	_ =	strace $0x9FFFFFFF  }
0xc9: {  	(tm) =	ssettm $0x7FFFFFFF  }
tec
execute0_lowered:
.L_overlay_start_1:
0x0: {  	(tag) =	ssettag $0x1  }
0x1: {  	s9 =	rddreg [dreg:$0x0]  }
0x2: {  	s5 =	rddreg [dreg:$0x1]  }
0x3: {  	s2 =	rddreg [dreg:$0x2]  }
0x4: {  	s0 =	rddreg [dreg:$0x3];
	s1 =	stileid.u32  }
0x5: {  	s4 =	srdreg.scid;
	s6 =	smul.u32 $0x2800, s1  }
0x6: {  	s3 =	simm.s32 $0x0;
	s7 =	sand.u32 $0x1, s4;
	s26 =	smul.u32 $0x50000, s1  }
0x7: {  	[smem:$0x7FF] =	sst s3;
	s4 =	sadd.s32 $0x15A00, s5;
	s12 =	smul.u32 $0x4E20, s1  }
0x8: {  	s30 =	sshll.u32 s1, $0x6;
	s8 =	smul.u32 $0x28000, s7;
	_ =	strace $0x80000047  }
0x9: {  	s28 =	ssub.s32 $0x2, s7;
	s7 =	smul.u32 $0x4E200, s7;
	s10 =	sadd.s32 s6, s5  }
0xa: {  	s29 =	sshrl.u32 s28, $0x1;
	s6 =	sadd.s32 s6, s8;
	s8 =	sshrl.u32 s26, $0x2  }
0xb: {  	s13 =	ssub.s32 s28, s29;
	s31 =	sadd.s32 s12, s7;
	s12 =	simm.s32 $0x80  }
0xc: {  	s11 =	sadd.s32 s6, s5;
	s14 =	sadd.s32 s8, s2;
	s5 =	sadd.s32 $0x16000, s10  }
0xd: {  	s6 =	sor.u32 $0x1C01, s30;
	s8 =	smax.u32 s13, $0x1;
	s10 =	sshrl.u32 s31, $0x3  }
0xe: {  	s13 =	simm.s32 $0x50;
	s7 =	sadd.s32 $0x3E000, s11;
	s9 =	sadd.s32 s10, s9  }
0xf: {  	s10 =	sshrl.u32 s14, $0x3;
	s11 =	simm.s32 $0x1;
	s14 =	simm.s32 $0x0  }
.LBB2_1:
0x10: {  	[spmem:s10], [sflag:s6] =	dma.local [hbm:s5], $0x2800  }
0x11: {  	_ =	swait.ge [sflag:s11], $0x2800  }
0x12: {  	[sflag:s11] =	ssyncset.done $0x0  }
0x13: {  	[sflag:s11] =	ssyncadd.s32 $0xFFFFD800  }
0x14: {  	[tilespmem:s12], [sflag:$0x1] =	stream.linear.gather [hbm4b:s4+s3], $0x2800, $0x38;
	[tilespmem:$0x16880] =	vst v63  }
0x15: {  	_ =	swait.ge [sflag:s11], $0x2800  }
0x16: {  	[sflag:s11] =	ssyncset.done $0x0  }
0x17: {  	[sflag:s11] =	ssyncadd.s32 $0xFFFFD800  }
0x18: {  	s15 =	sadd.s32 $0x0, s9;
	[bflag:$0x0] =	sbarrier.arrive $0xFFFF  }
0x19: {  	[tilespmem:s3], [sflag:$0x1] =	stream.linear.gather [hbm4b:s15+s3], $0x50, $0x38;
	[tilespmem:$0x16880] =	vst v63  }
0x1a: {  	_ =	swait.ge [sflag:s11], $0x50  }
0x1b: {  	[sflag:s11] =	ssyncset.done $0x0  }
0x1c: {  	[sflag:s11] =	ssyncadd.s32 $0xFFFFFFB0  }
0x1d: {  	[spmem:s2] =	stream.indirect.scatter.add.f32 [tilespmem:s12], [sflag:$0x1], $0x80, s3, s13, $0xb8;
	[tilespmem:$0x16880] =	vst v63  }
0x1e: {  	_ =	swait.ge [sflag:s11], $0x2800  }
0x1f: {  	s16 =	simm.s32 $0x14;
	s15 =	simm.s32 $0xA;
	[sflag:s11] =	ssyncset.done $0x0  }
.LBB2_2:
0x20: {  	s17 =	sadd.s32 s15, s9  }
0x21: {  	[sflag:s11] =	ssyncadd.s32 $0xFFFFD800;
	s15 =	smov.u32 s16;
	s18 =	sadd.s32 $0xA, s16  }
0x22: {  	[tilespmem:s3], [sflag:$0x1] =	stream.linear.gather [hbm4b:s17+s3], $0x50, $0x38;
	[tilespmem:$0x16880] =	vst v63  }
0x23: {  	p0 =	sne.s32 s16, $0x9BA;
	_ =	swait.ge [sflag:s11], $0x50  }
.Ltmp0:
0x24: {  	[sflag:s11] =	ssyncset.done $0x0;
	(pc) =	sbr.rel @p0 .LBB2_2-.Ltmp0, $4  }
0x25: {  	[sflag:s11] =	ssyncadd.s32 $0xFFFFFFB0  }
0x26: {  	[spmem:s2] =	stream.indirect.scatter.add.f32 [tilespmem:s12], [sflag:$0x1], $0x80, s3, s13, $0xb8;
	[tilespmem:$0x16880] =	vst v63  }
0x27: {  	_ =	swait.ge [sflag:s11], $0x2800  }
0x28: {  	s16 =	smov.u32 s18;
	[sflag:s11] =	ssyncset.done $0x0  }
0x29: {  	s15 =	sadd.s32 s15, s9;
	[sflag:s11] =	ssyncadd.s32 $0xFFFFD800  }
0x2a: {  	[tilespmem:s3], [sflag:$0x1] =	stream.linear.gather [hbm4b:s15+s3], $0x50, $0x38;
	[tilespmem:$0x16880] =	vst v63  }
0x2b: {  	_ =	swait.ge [sflag:s11], $0x50  }
0x2c: {  	[sflag:s11] =	ssyncset.done $0x0  }
0x2d: {  	[sflag:s11] =	ssyncadd.s32 $0xFFFFFFB0  }
0x2e: {  	[spmem:s2] =	stream.indirect.scatter.add.f32 [tilespmem:s12], [sflag:$0x1], $0x80, s3, s13, $0xb8;
	[tilespmem:$0x16880] =	vst v63  }
0x2f: {  	_ =	swait.ge [sflag:s11], $0x2800  }
0x30: {  	s14 =	sadd.s32 $0x1, s14;
	[sflag:s11] =	ssyncset.done $0x0  }
0x31: {  	p0 =	sne.s32 s14, s8;
	[sflag:s11] =	ssyncadd.s32 $0xFFFFD800  }
.Ltmp1:
0x32: {  	[bflag:$0x0] =	sbarrier.arrive $0xFFFF;
	(pc) =	sbr.rel @p0 .LBB2_1-.Ltmp1, $4  }
0x33: {  	[hbm:s7], [sflag:s6] =	dma.local [spmem:s10], $0x2800  }
0x34: {  	_ =	swait.ge [sflag:s11], $0x2800  }
0x35: {  	[sflag:s11] =	ssyncset.done $0x0  }
0x36: {  	[sflag:s11] =	ssyncadd.s32 $0xFFFFD800  }
0x37: {  	_ =	sfence.sel $0x180000  }
0x38: {  	[bflag:$0x0] =	sbarrier.arrive $0xFFFF  }
0x39: {  	p0 =	sne.s32 s1, $0x0;
	_ =	strace $0x90000047  }
0x3a: {  	s0 =	sadd.s32 @!p0 $0x100000, s0;
	[bflag:$0x2] =	sbarrier.arrive $0xFFFF  }
0x3b: {  	[sflag:s0] =	ssyncadd.tile.s32 @!p0 $0x1;
	_ =	shalt  }
.Lfunc_end2:
_tile_overlayer_lowered:
.L_overlay_start_2:
0x3c: {  	(tag) =	ssettag $0x2  }
0x3d: {  	s0 =	rddreg [dreg:$0x0];
	s2 =	stileid.u32  }
0x3e: {  	s1 =	rddreg [dreg:$0x1];
	p0 =	sne.s32 s2, $0x0  }
0x3f: {  	s3 =	rddreg [dreg:$0x2];
	[bflag:$0x3] =	sbarrier.arrive $0xFFFF;
	s2 =	simm.s32 @!p0 $0x1C01  }
0x40: {  	[timem:s3], [sflag:s2] =	dma.local @!p0 [hbm:s0], s1  }
0x41: {  	s0 =	simm.s32 @!p0 $0x1  }
0x42: {  	_ =	swait.ge @!p0 [sflag:s0], s1  }
0x43: {  	s1 =	ssub.s32 @!p0 $0x0, s1;
	[sflag:s0] =	ssyncset.done @!p0 $0x0  }
0x44: {  	[sflag:s0] =	ssyncadd.s32 @!p0 s1  }
0x45: {  	[bflag:$0x3] =	sbarrier.arrive $0xFFFF  }
0x46: {  	_ =	shalt  }

</sc_bundles>
